<compile_context>
chip_gen: v7x
topology: tpu7x:2x2x1
jax: 0.10.2.dev20260603
libtpu: 0.0.44.dev20260713+nightly
codegen_flags: <defaults>
</compile_context>

<pallas_src>
import jax
import jax.numpy as jnp
from jax import lax
from jax.experimental import pallas as pl
from jax.experimental.pallas import tpu as pltpu
from jax.experimental.pallas import tpu_sc as plsc

B = 16384
D = 64
NW = 32
BPW = B // NW
PCH = 256
NP = BPW // PCH
L = 16
NC = D // L
NS = 4
CS = PCH // NS


def _body(h_hbm, r_hbm, t_hbm, ent_hbm, rel_hbm, out_hbm,
          hi, ti, ri,
          hb0, tb0, rb0, hb1, tb1, rb1, out_v, sem0, sem1):
    cid = lax.axis_index("c")
    sid = lax.axis_index("s")
    wid = sid * 2 + cid
    base = wid * BPW

    pltpu.sync_copy(h_hbm.at[pl.ds(base, BPW)], hi)
    pltpu.sync_copy(t_hbm.at[pl.ds(base, BPW)], ti)
    pltpu.sync_copy(r_hbm.at[pl.ds(base, BPW)], ri)

    hb = (hb0, hb1)
    tb = (tb0, tb1)
    rb = (rb0, rb1)
    sems = (sem0, sem1)

    def fire(p, slot):
        cps = []
        for j in range(NS):
            s = pl.ds(p * PCH + j * CS, CS)
            d = pl.ds(j * CS, CS)
            cps.append(pltpu.async_copy(
                ent_hbm.at[hi.at[s]], hb[slot].at[d], sems[slot]))
            cps.append(pltpu.async_copy(
                ent_hbm.at[ti.at[s]], tb[slot].at[d], sems[slot]))
            cps.append(pltpu.async_copy(
                rel_hbm.at[ri.at[s]], rb[slot].at[d], sems[slot]))
        return cps

    lanes = lax.broadcasted_iota(jnp.int32, (L,), 0)
    last = lanes == (L - 1)
    zeros_i = jnp.zeros((L,), jnp.int32)

    def score(p, slot):
        hs, ts, rs = hb[slot], tb[slot], rb[slot]

        def item(i, _):
            acc = jnp.zeros((L,), jnp.float32)
            for k in range(NC):
                s = pl.ds(k * L, L)
                hv = hs[i, s]
                tv = ts[i, s]
                rv = rs[i, s]
                acc = acc + jnp.abs(hv + rv - tv)
            cs = plsc.cumsum(acc)
            iv = zeros_i + (p * PCH + i)
            plsc.store_scatter(out_v, [iv], -cs, mask=last)
            return 0

        lax.fori_loop(0, PCH, item, 0)

    cps = fire(0, 0)
    for p in range(NP):
        slot = p % 2
        if p + 1 < NP:
            nxt = fire(p + 1, 1 - slot)
        for cp in cps:
            cp.wait()
        score(p, slot)
        if p + 1 < NP:
            cps = nxt

    pltpu.sync_copy(out_v, out_hbm.at[pl.ds(base, BPW)])


@jax.jit
def kernel(h, r, t, entity_table, relation_table):
    k = pl.kernel(
        _body,
        mesh=plsc.VectorSubcoreMesh(core_axis_name="c", subcore_axis_name="s"),
        out_type=jax.ShapeDtypeStruct((B,), jnp.float32),
        compiler_params=pltpu.CompilerParams(
            needs_layout_passes=False,
            use_tc_tiling_on_sc=False,
        ),
        scratch_types=[
            pltpu.VMEM((BPW,), jnp.int32),
            pltpu.VMEM((BPW,), jnp.int32),
            pltpu.VMEM((BPW,), jnp.int32),
            pltpu.VMEM((PCH, D), jnp.float32),
            pltpu.VMEM((PCH, D), jnp.float32),
            pltpu.VMEM((PCH, D), jnp.float32),
            pltpu.VMEM((PCH, D), jnp.float32),
            pltpu.VMEM((PCH, D), jnp.float32),
            pltpu.VMEM((PCH, D), jnp.float32),
            pltpu.VMEM((BPW,), jnp.float32),
            pltpu.SemaphoreType.DMA,
            pltpu.SemaphoreType.DMA,
        ],
    )
    return k(h, r, t, entity_table, relation_table)

# --- scband reference (transcript-rebuilt; emitter-appended) ---
"""Pipeline reference for scband-trans-emodel-88983132439088 (READ-ONLY COPY).

The authoritative reference and input builder live on the scoring server;
editing this copy changes nothing except your own understanding.
"""

import jax, jax.numpy as jnp
import numpy as np

NUM_ENTITIES = 1000000
NUM_RELATIONS = 1000
EMBED_DIM = 64
BATCH = 16384

def setup_inputs(seed: int = 0) -> dict:
    key = jax.random.key(seed)
    k1, k2, k3, k4, k5 = jax.random.split(key, 5)
    h = jax.random.randint(k1, (BATCH,), 0, NUM_ENTITIES, dtype=jnp.int64 if jax.config.jax_enable_x64 else jnp.int32).astype(jnp.int32)
    r = jax.random.randint(k2, (BATCH,), 0, NUM_RELATIONS).astype(jnp.int32)
    t = jax.random.randint(k3, (BATCH,), 0, NUM_ENTITIES).astype(jnp.int32)
    entity_table = jax.random.normal(k4, (NUM_ENTITIES, EMBED_DIM), dtype=jnp.float32)
    relation_table = jax.random.normal(k5, (NUM_RELATIONS, EMBED_DIM), dtype=jnp.float32)
    return {"h": h, "r": r, "t": t, "entity_table": entity_table, "relation_table": relation_table}

def reference(h, r, t, entity_table, relation_table):
    h_emb = jnp.take(entity_table, h, axis=0)
    r_emb = jnp.take(relation_table, r, axis=0)
    t_emb = jnp.take(entity_table, t, axis=0)
    score = jnp.sum(jnp.abs(h_emb + r_emb - t_emb), axis=1)
    return -score

if __name__ == "__main__":
    import jax
    _d = setup_inputs()
    print(jax.jit(kernel)(*tuple(_d.values())))

</pallas_src>

<mosaic_0001>
#map = affine_map<(d0, d1) -> (0)>
#map1 = affine_map<(d0, d1) -> (0, 0)>
module attributes {stable_mosaic.version = 14 : i64} {
  func.func @_body(%arg0: i32, %arg1: i32, %arg2: memref<16384xi32, #tpu.memory_space<hbm>>, %arg3: memref<16384xi32, #tpu.memory_space<hbm>>, %arg4: memref<16384xi32, #tpu.memory_space<hbm>>, %arg5: memref<1000000x64xf32, #tpu.memory_space<hbm>>, %arg6: memref<1000x64xf32, #tpu.memory_space<hbm>>, %arg7: memref<16384xf32, #tpu.memory_space<hbm>>, %arg8: memref<512xi32, #tpu.memory_space<vmem>>, %arg9: memref<512xi32, #tpu.memory_space<vmem>>, %arg10: memref<512xi32, #tpu.memory_space<vmem>>, %arg11: memref<256x64xf32, #tpu.memory_space<vmem>>, %arg12: memref<256x64xf32, #tpu.memory_space<vmem>>, %arg13: memref<256x64xf32, #tpu.memory_space<vmem>>, %arg14: memref<256x64xf32, #tpu.memory_space<vmem>>, %arg15: memref<256x64xf32, #tpu.memory_space<vmem>>, %arg16: memref<256x64xf32, #tpu.memory_space<vmem>>, %arg17: memref<512xf32, #tpu.memory_space<vmem>>, %arg18: memref<!tpu.dma_semaphore, #tpu.memory_space<semaphore_mem>>, %arg19: memref<!tpu.dma_semaphore, #tpu.memory_space<semaphore_mem>>) attributes {dimension_semantics = [#tpu.dimension_semantics<core_parallel>, #tpu.dimension_semantics<subcore_parallel>], iteration_bounds = array<i64: 2, 16>, scalar_prefetch = 0 : i64, scratch_operands = 12 : i64, tpu.core_type = #tpu.core_type<sc_vector_subcore>, window_params = [{transform_indices = #map}, {transform_indices = #map}, {transform_indices = #map}, {transform_indices = #map1}, {transform_indices = #map1}, {transform_indices = #map}]} {
    %mul3A = arith.constant 2 : i32
    %mul3A_0 = arith.muli %arg1, %mul3A : i32
    %add3A = arith.addi %mul3A_0, %arg0 : i32
    %mul3A_1 = arith.constant 512 : i32
    %mul3A_2 = arith.muli %add3A, %mul3A_1 : i32
    "tpu.region"() ({
      %run_scoped3A = tpu.sem_alloc : memref<!tpu.dma_semaphore, #tpu.memory_space<semaphore_mem>>
      %dma_start3A_401 = tpu.memref_slice %arg2[%mul3A_2] : memref<16384xi32, #tpu.memory_space<hbm>> -> memref<512xi32, #tpu.memory_space<hbm>>
      %dma_start3A_402 = tpu.memref_slice %arg2[%mul3A_2] : memref<16384xi32, #tpu.memory_space<hbm>> -> memref<512xi32, #tpu.memory_space<hbm>>
      tpu.enqueue_dma source(%dma_start3A_402 : memref<512xi32, #tpu.memory_space<hbm>>) target(%arg8 : memref<512xi32, #tpu.memory_space<vmem>>) target_semaphore(%run_scoped3A : memref<!tpu.dma_semaphore, #tpu.memory_space<semaphore_mem>>)
      %dma_wait3A_403 = tpu.memref_slice %arg2[%mul3A_2] : memref<16384xi32, #tpu.memory_space<hbm>> -> memref<512xi32, #tpu.memory_space<hbm>>
      %dma_wait3A_404 = tpu.memref_slice %arg2[%mul3A_2] : memref<16384xi32, #tpu.memory_space<hbm>> -> memref<512xi32, #tpu.memory_space<hbm>>
      tpu.wait_dma2 semaphore(%run_scoped3A : memref<!tpu.dma_semaphore, #tpu.memory_space<semaphore_mem>>) src(%dma_wait3A_404 : memref<512xi32, #tpu.memory_space<hbm>>) dst(%arg8 : memref<512xi32, #tpu.memory_space<vmem>>)
      tpu.yield
    }) : () -> ()
    "tpu.region"() ({
      %run_scoped3A = tpu.sem_alloc : memref<!tpu.dma_semaphore, #tpu.memory_space<semaphore_mem>>
      %dma_start3A_401 = tpu.memref_slice %arg4[%mul3A_2] : memref<16384xi32, #tpu.memory_space<hbm>> -> memref<512xi32, #tpu.memory_space<hbm>>
      %dma_start3A_402 = tpu.memref_slice %arg4[%mul3A_2] : memref<16384xi32, #tpu.memory_space<hbm>> -> memref<512xi32, #tpu.memory_space<hbm>>
      tpu.enqueue_dma source(%dma_start3A_402 : memref<512xi32, #tpu.memory_space<hbm>>) target(%arg9 : memref<512xi32, #tpu.memory_space<vmem>>) target_semaphore(%run_scoped3A : memref<!tpu.dma_semaphore, #tpu.memory_space<semaphore_mem>>)
      %dma_wait3A_403 = tpu.memref_slice %arg4[%mul3A_2] : memref<16384xi32, #tpu.memory_space<hbm>> -> memref<512xi32, #tpu.memory_space<hbm>>
      %dma_wait3A_404 = tpu.memref_slice %arg4[%mul3A_2] : memref<16384xi32, #tpu.memory_space<hbm>> -> memref<512xi32, #tpu.memory_space<hbm>>
      tpu.wait_dma2 semaphore(%run_scoped3A : memref<!tpu.dma_semaphore, #tpu.memory_space<semaphore_mem>>) src(%dma_wait3A_404 : memref<512xi32, #tpu.memory_space<hbm>>) dst(%arg9 : memref<512xi32, #tpu.memory_space<vmem>>)
      tpu.yield
    }) : () -> ()
    "tpu.region"() ({
      %run_scoped3A = tpu.sem_alloc : memref<!tpu.dma_semaphore, #tpu.memory_space<semaphore_mem>>
      %dma_start3A_401 = tpu.memref_slice %arg3[%mul3A_2] : memref<16384xi32, #tpu.memory_space<hbm>> -> memref<512xi32, #tpu.memory_space<hbm>>
      %dma_start3A_402 = tpu.memref_slice %arg3[%mul3A_2] : memref<16384xi32, #tpu.memory_space<hbm>> -> memref<512xi32, #tpu.memory_space<hbm>>
      tpu.enqueue_dma source(%dma_start3A_402 : memref<512xi32, #tpu.memory_space<hbm>>) target(%arg10 : memref<512xi32, #tpu.memory_space<vmem>>) target_semaphore(%run_scoped3A : memref<!tpu.dma_semaphore, #tpu.memory_space<semaphore_mem>>)
      %dma_wait3A_403 = tpu.memref_slice %arg3[%mul3A_2] : memref<16384xi32, #tpu.memory_space<hbm>> -> memref<512xi32, #tpu.memory_space<hbm>>
      %dma_wait3A_404 = tpu.memref_slice %arg3[%mul3A_2] : memref<16384xi32, #tpu.memory_space<hbm>> -> memref<512xi32, #tpu.memory_space<hbm>>
      tpu.wait_dma2 semaphore(%run_scoped3A : memref<!tpu.dma_semaphore, #tpu.memory_space<semaphore_mem>>) src(%dma_wait3A_404 : memref<512xi32, #tpu.memory_space<hbm>>) dst(%arg10 : memref<512xi32, #tpu.memory_space<vmem>>)
      tpu.yield
    }) : () -> ()
    %iota3A = tpu.iota {dimensions = array<i32: 0>} : vector<16xi32>
    %eq3A = arith.constant 15 : i32
    %eq3A_3 = vector.broadcast %eq3A : i32 to vector<16xi32>
    %eq3A_4 = arith.cmpi eq, %iota3A, %eq3A_3 : vector<16xi32>
    %broadcast_in_dim3A = arith.constant 0 : i32
    %broadcast_in_dim3A_5 = vector.broadcast %broadcast_in_dim3A : i32 to vector<16xi32>
    %dma_start3A = arith.constant 0 : i32
    %dma_start3A_6 = arith.constant 0 : i32
    %dma_start3A_7 = tpu.memref_slice %arg11[%dma_start3A, %dma_start3A_6] : memref<256x64xf32, #tpu.memory_space<vmem>> -> memref<64x64xf32, #tpu.memory_space<vmem>>
    %dma_start3A_8 = arith.constant 0 : i32
    %dma_start3A_9 = tpu.memref_slice %arg8[%dma_start3A_8] : memref<512xi32, #tpu.memory_space<vmem>> -> memref<64xi32, #tpu.memory_space<vmem>>
    %dma_start3A_10 = arith.constant 0 : i32
    %dma_start3A_11 = arith.constant 0 : i32
    %dma_start3A_12 = tpu.memref_slice %arg5[%dma_start3A_10, %dma_start3A_11] : memref<1000000x64xf32, #tpu.memory_space<hbm>> -> memref<1000000x64xf32, #tpu.memory_space<hbm>>
    tpu.enqueue_indirect_dma source(%dma_start3A_12 : memref<1000000x64xf32, #tpu.memory_space<hbm>>) target(%dma_start3A_7 : memref<64x64xf32, #tpu.memory_space<vmem>>) offsets(%dma_start3A_9 : memref<64xi32, #tpu.memory_space<vmem>>) semaphore(%arg18 : memref<!tpu.dma_semaphore, #tpu.memory_space<semaphore_mem>>)
    %dma_start3A_13 = arith.constant 0 : i32
    %dma_start3A_14 = arith.constant 0 : i32
    %dma_start3A_15 = tpu.memref_slice %arg12[%dma_start3A_13, %dma_start3A_14] : memref<256x64xf32, #tpu.memory_space<vmem>> -> memref<64x64xf32, #tpu.memory_space<vmem>>
    %dma_start3A_16 = arith.constant 0 : i32
    %dma_start3A_17 = tpu.memref_slice %arg9[%dma_start3A_16] : memref<512xi32, #tpu.memory_space<vmem>> -> memref<64xi32, #tpu.memory_space<vmem>>
    %dma_start3A_18 = arith.constant 0 : i32
    %dma_start3A_19 = arith.constant 0 : i32
    %dma_start3A_20 = tpu.memref_slice %arg5[%dma_start3A_18, %dma_start3A_19] : memref<1000000x64xf32, #tpu.memory_space<hbm>> -> memref<1000000x64xf32, #tpu.memory_space<hbm>>
    tpu.enqueue_indirect_dma source(%dma_start3A_20 : memref<1000000x64xf32, #tpu.memory_space<hbm>>) target(%dma_start3A_15 : memref<64x64xf32, #tpu.memory_space<vmem>>) offsets(%dma_start3A_17 : memref<64xi32, #tpu.memory_space<vmem>>) semaphore(%arg18 : memref<!tpu.dma_semaphore, #tpu.memory_space<semaphore_mem>>)
    %dma_start3A_21 = arith.constant 0 : i32
    %dma_start3A_22 = arith.constant 0 : i32
    %dma_start3A_23 = tpu.memref_slice %arg13[%dma_start3A_21, %dma_start3A_22] : memref<256x64xf32, #tpu.memory_space<vmem>> -> memref<64x64xf32, #tpu.memory_space<vmem>>
    %dma_start3A_24 = arith.constant 0 : i32
    %dma_start3A_25 = tpu.memref_slice %arg10[%dma_start3A_24] : memref<512xi32, #tpu.memory_space<vmem>> -> memref<64xi32, #tpu.memory_space<vmem>>
    %dma_start3A_26 = arith.constant 0 : i32
    %dma_start3A_27 = arith.constant 0 : i32
    %dma_start3A_28 = tpu.memref_slice %arg6[%dma_start3A_26, %dma_start3A_27] : memref<1000x64xf32, #tpu.memory_space<hbm>> -> memref<1000x64xf32, #tpu.memory_space<hbm>>
    tpu.enqueue_indirect_dma source(%dma_start3A_28 : memref<1000x64xf32, #tpu.memory_space<hbm>>) target(%dma_start3A_23 : memref<64x64xf32, #tpu.memory_space<vmem>>) offsets(%dma_start3A_25 : memref<64xi32, #tpu.memory_space<vmem>>) semaphore(%arg18 : memref<!tpu.dma_semaphore, #tpu.memory_space<semaphore_mem>>)
    %dma_start3A_29 = arith.constant 64 : i32
    %dma_start3A_30 = arith.constant 0 : i32
    %dma_start3A_31 = tpu.memref_slice %arg11[%dma_start3A_29, %dma_start3A_30] : memref<256x64xf32, #tpu.memory_space<vmem>> -> memref<64x64xf32, #tpu.memory_space<vmem>>
    %dma_start3A_32 = arith.constant 64 : i32
    %dma_start3A_33 = tpu.memref_slice %arg8[%dma_start3A_32] : memref<512xi32, #tpu.memory_space<vmem>> -> memref<64xi32, #tpu.memory_space<vmem>>
    %dma_start3A_34 = arith.constant 0 : i32
    %dma_start3A_35 = arith.constant 0 : i32
    %dma_start3A_36 = tpu.memref_slice %arg5[%dma_start3A_34, %dma_start3A_35] : memref<1000000x64xf32, #tpu.memory_space<hbm>> -> memref<1000000x64xf32, #tpu.memory_space<hbm>>
    tpu.enqueue_indirect_dma source(%dma_start3A_36 : memref<1000000x64xf32, #tpu.memory_space<hbm>>) target(%dma_start3A_31 : memref<64x64xf32, #tpu.memory_space<vmem>>) offsets(%dma_start3A_33 : memref<64xi32, #tpu.memory_space<vmem>>) semaphore(%arg18 : memref<!tpu.dma_semaphore, #tpu.memory_space<semaphore_mem>>)
    %dma_start3A_37 = arith.constant 64 : i32
    %dma_start3A_38 = arith.constant 0 : i32
    %dma_start3A_39 = tpu.memref_slice %arg12[%dma_start3A_37, %dma_start3A_38] : memref<256x64xf32, #tpu.memory_space<vmem>> -> memref<64x64xf32, #tpu.memory_space<vmem>>
    %dma_start3A_40 = arith.constant 64 : i32
    %dma_start3A_41 = tpu.memref_slice %arg9[%dma_start3A_40] : memref<512xi32, #tpu.memory_space<vmem>> -> memref<64xi32, #tpu.memory_space<vmem>>
    %dma_start3A_42 = arith.constant 0 : i32
    %dma_start3A_43 = arith.constant 0 : i32
    %dma_start3A_44 = tpu.memref_slice %arg5[%dma_start3A_42, %dma_start3A_43] : memref<1000000x64xf32, #tpu.memory_space<hbm>> -> memref<1000000x64xf32, #tpu.memory_space<hbm>>
    tpu.enqueue_indirect_dma source(%dma_start3A_44 : memref<1000000x64xf32, #tpu.memory_space<hbm>>) target(%dma_start3A_39 : memref<64x64xf32, #tpu.memory_space<vmem>>) offsets(%dma_start3A_41 : memref<64xi32, #tpu.memory_space<vmem>>) semaphore(%arg18 : memref<!tpu.dma_semaphore, #tpu.memory_space<semaphore_mem>>)
    %dma_start3A_45 = arith.constant 64 : i32
    %dma_start3A_46 = arith.constant 0 : i32
    %dma_start3A_47 = tpu.memref_slice %arg13[%dma_start3A_45, %dma_start3A_46] : memref<256x64xf32, #tpu.memory_space<vmem>> -> memref<64x64xf32, #tpu.memory_space<vmem>>
    %dma_start3A_48 = arith.constant 64 : i32
    %dma_start3A_49 = tpu.memref_slice %arg10[%dma_start3A_48] : memref<512xi32, #tpu.memory_space<vmem>> -> memref<64xi32, #tpu.memory_space<vmem>>
    %dma_start3A_50 = arith.constant 0 : i32
    %dma_start3A_51 = arith.constant 0 : i32
    %dma_start3A_52 = tpu.memref_slice %arg6[%dma_start3A_50, %dma_start3A_51] : memref<1000x64xf32, #tpu.memory_space<hbm>> -> memref<1000x64xf32, #tpu.memory_space<hbm>>
    tpu.enqueue_indirect_dma source(%dma_start3A_52 : memref<1000x64xf32, #tpu.memory_space<hbm>>) target(%dma_start3A_47 : memref<64x64xf32, #tpu.memory_space<vmem>>) offsets(%dma_start3A_49 : memref<64xi32, #tpu.memory_space<vmem>>) semaphore(%arg18 : memref<!tpu.dma_semaphore, #tpu.memory_space<semaphore_mem>>)
    %dma_start3A_53 = arith.constant 128 : i32
    %dma_start3A_54 = arith.constant 0 : i32
    %dma_start3A_55 = tpu.memref_slice %arg11[%dma_start3A_53, %dma_start3A_54] : memref<256x64xf32, #tpu.memory_space<vmem>> -> memref<64x64xf32, #tpu.memory_space<vmem>>
    %dma_start3A_56 = arith.constant 128 : i32
    %dma_start3A_57 = tpu.memref_slice %arg8[%dma_start3A_56] : memref<512xi32, #tpu.memory_space<vmem>> -> memref<64xi32, #tpu.memory_space<vmem>>
    %dma_start3A_58 = arith.constant 0 : i32
    %dma_start3A_59 = arith.constant 0 : i32
    %dma_start3A_60 = tpu.memref_slice %arg5[%dma_start3A_58, %dma_start3A_59] : memref<1000000x64xf32, #tpu.memory_space<hbm>> -> memref<1000000x64xf32, #tpu.memory_space<hbm>>
    tpu.enqueue_indirect_dma source(%dma_start3A_60 : memref<1000000x64xf32, #tpu.memory_space<hbm>>) target(%dma_start3A_55 : memref<64x64xf32, #tpu.memory_space<vmem>>) offsets(%dma_start3A_57 : memref<64xi32, #tpu.memory_space<vmem>>) semaphore(%arg18 : memref<!tpu.dma_semaphore, #tpu.memory_space<semaphore_mem>>)
    %dma_start3A_61 = arith.constant 128 : i32
    %dma_start3A_62 = arith.constant 0 : i32
    %dma_start3A_63 = tpu.memref_slice %arg12[%dma_start3A_61, %dma_start3A_62] : memref<256x64xf32, #tpu.memory_space<vmem>> -> memref<64x64xf32, #tpu.memory_space<vmem>>
    %dma_start3A_64 = arith.constant 128 : i32
    %dma_start3A_65 = tpu.memref_slice %arg9[%dma_start3A_64] : memref<512xi32, #tpu.memory_space<vmem>> -> memref<64xi32, #tpu.memory_space<vmem>>
    %dma_start3A_66 = arith.constant 0 : i32
    %dma_start3A_67 = arith.constant 0 : i32
    %dma_start3A_68 = tpu.memref_slice %arg5[%dma_start3A_66, %dma_start3A_67] : memref<1000000x64xf32, #tpu.memory_space<hbm>> -> memref<1000000x64xf32, #tpu.memory_space<hbm>>
    tpu.enqueue_indirect_dma source(%dma_start3A_68 : memref<1000000x64xf32, #tpu.memory_space<hbm>>) target(%dma_start3A_63 : memref<64x64xf32, #tpu.memory_space<vmem>>) offsets(%dma_start3A_65 : memref<64xi32, #tpu.memory_space<vmem>>) semaphore(%arg18 : memref<!tpu.dma_semaphore, #tpu.memory_space<semaphore_mem>>)
    %dma_start3A_69 = arith.constant 128 : i32
    %dma_start3A_70 = arith.constant 0 : i32
    %dma_start3A_71 = tpu.memref_slice %arg13[%dma_start3A_69, %dma_start3A_70] : memref<256x64xf32, #tpu.memory_space<vmem>> -> memref<64x64xf32, #tpu.memory_space<vmem>>
    %dma_start3A_72 = arith.constant 128 : i32
    %dma_start3A_73 = tpu.memref_slice %arg10[%dma_start3A_72] : memref<512xi32, #tpu.memory_space<vmem>> -> memref<64xi32, #tpu.memory_space<vmem>>
    %dma_start3A_74 = arith.constant 0 : i32
    %dma_start3A_75 = arith.constant 0 : i32
    %dma_start3A_76 = tpu.memref_slice %arg6[%dma_start3A_74, %dma_start3A_75] : memref<1000x64xf32, #tpu.memory_space<hbm>> -> memref<1000x64xf32, #tpu.memory_space<hbm>>
    tpu.enqueue_indirect_dma source(%dma_start3A_76 : memref<1000x64xf32, #tpu.memory_space<hbm>>) target(%dma_start3A_71 : memref<64x64xf32, #tpu.memory_space<vmem>>) offsets(%dma_start3A_73 : memref<64xi32, #tpu.memory_space<vmem>>) semaphore(%arg18 : memref<!tpu.dma_semaphore, #tpu.memory_space<semaphore_mem>>)
    %dma_start3A_77 = arith.constant 192 : i32
    %dma_start3A_78 = arith.constant 0 : i32
    %dma_start3A_79 = tpu.memref_slice %arg11[%dma_start3A_77, %dma_start3A_78] : memref<256x64xf32, #tpu.memory_space<vmem>> -> memref<64x64xf32, #tpu.memory_space<vmem>>
    %dma_start3A_80 = arith.constant 192 : i32
    %dma_start3A_81 = tpu.memref_slice %arg8[%dma_start3A_80] : memref<512xi32, #tpu.memory_space<vmem>> -> memref<64xi32, #tpu.memory_space<vmem>>
    %dma_start3A_82 = arith.constant 0 : i32
    %dma_start3A_83 = arith.constant 0 : i32
    %dma_start3A_84 = tpu.memref_slice %arg5[%dma_start3A_82, %dma_start3A_83] : memref<1000000x64xf32, #tpu.memory_space<hbm>> -> memref<1000000x64xf32, #tpu.memory_space<hbm>>
    tpu.enqueue_indirect_dma source(%dma_start3A_84 : memref<1000000x64xf32, #tpu.memory_space<hbm>>) target(%dma_start3A_79 : memref<64x64xf32, #tpu.memory_space<vmem>>) offsets(%dma_start3A_81 : memref<64xi32, #tpu.memory_space<vmem>>) semaphore(%arg18 : memref<!tpu.dma_semaphore, #tpu.memory_space<semaphore_mem>>)
    %dma_start3A_85 = arith.constant 192 : i32
    %dma_start3A_86 = arith.constant 0 : i32
    %dma_start3A_87 = tpu.memref_slice %arg12[%dma_start3A_85, %dma_start3A_86] : memref<256x64xf32, #tpu.memory_space<vmem>> -> memref<64x64xf32, #tpu.memory_space<vmem>>
    %dma_start3A_88 = arith.constant 192 : i32
    %dma_start3A_89 = tpu.memref_slice %arg9[%dma_start3A_88] : memref<512xi32, #tpu.memory_space<vmem>> -> memref<64xi32, #tpu.memory_space<vmem>>
    %dma_start3A_90 = arith.constant 0 : i32
    %dma_start3A_91 = arith.constant 0 : i32
    %dma_start3A_92 = tpu.memref_slice %arg5[%dma_start3A_90, %dma_start3A_91] : memref<1000000x64xf32, #tpu.memory_space<hbm>> -> memref<1000000x64xf32, #tpu.memory_space<hbm>>
    tpu.enqueue_indirect_dma source(%dma_start3A_92 : memref<1000000x64xf32, #tpu.memory_space<hbm>>) target(%dma_start3A_87 : memref<64x64xf32, #tpu.memory_space<vmem>>) offsets(%dma_start3A_89 : memref<64xi32, #tpu.memory_space<vmem>>) semaphore(%arg18 : memref<!tpu.dma_semaphore, #tpu.memory_space<semaphore_mem>>)
    %dma_start3A_93 = arith.constant 192 : i32
    %dma_start3A_94 = arith.constant 0 : i32
    %dma_start3A_95 = tpu.memref_slice %arg13[%dma_start3A_93, %dma_start3A_94] : memref<256x64xf32, #tpu.memory_space<vmem>> -> memref<64x64xf32, #tpu.memory_space<vmem>>
    %dma_start3A_96 = arith.constant 192 : i32
    %dma_start3A_97 = tpu.memref_slice %arg10[%dma_start3A_96] : memref<512xi32, #tpu.memory_space<vmem>> -> memref<64xi32, #tpu.memory_space<vmem>>
    %dma_start3A_98 = arith.constant 0 : i32
    %dma_start3A_99 = arith.constant 0 : i32
    %dma_start3A_100 = tpu.memref_slice %arg6[%dma_start3A_98, %dma_start3A_99] : memref<1000x64xf32, #tpu.memory_space<hbm>> -> memref<1000x64xf32, #tpu.memory_space<hbm>>
    tpu.enqueue_indirect_dma source(%dma_start3A_100 : memref<1000x64xf32, #tpu.memory_space<hbm>>) target(%dma_start3A_95 : memref<64x64xf32, #tpu.memory_space<vmem>>) offsets(%dma_start3A_97 : memref<64xi32, #tpu.memory_space<vmem>>) semaphore(%arg18 : memref<!tpu.dma_semaphore, #tpu.memory_space<semaphore_mem>>)
    %dma_start3A_101 = arith.constant 0 : i32
    %dma_start3A_102 = arith.constant 0 : i32
    %dma_start3A_103 = tpu.memref_slice %arg14[%dma_start3A_101, %dma_start3A_102] : memref<256x64xf32, #tpu.memory_space<vmem>> -> memref<64x64xf32, #tpu.memory_space<vmem>>
    %dma_start3A_104 = arith.constant 256 : i32
    %dma_start3A_105 = tpu.memref_slice %arg8[%dma_start3A_104] : memref<512xi32, #tpu.memory_space<vmem>> -> memref<64xi32, #tpu.memory_space<vmem>>
    %dma_start3A_106 = arith.constant 0 : i32
    %dma_start3A_107 = arith.constant 0 : i32
    %dma_start3A_108 = tpu.memref_slice %arg5[%dma_start3A_106, %dma_start3A_107] : memref<1000000x64xf32, #tpu.memory_space<hbm>> -> memref<1000000x64xf32, #tpu.memory_space<hbm>>
    tpu.enqueue_indirect_dma source(%dma_start3A_108 : memref<1000000x64xf32, #tpu.memory_space<hbm>>) target(%dma_start3A_103 : memref<64x64xf32, #tpu.memory_space<vmem>>) offsets(%dma_start3A_105 : memref<64xi32, #tpu.memory_space<vmem>>) semaphore(%arg19 : memref<!tpu.dma_semaphore, #tpu.memory_space<semaphore_mem>>)
    %dma_start3A_109 = arith.constant 0 : i32
    %dma_start3A_110 = arith.constant 0 : i32
    %dma_start3A_111 = tpu.memref_slice %arg15[%dma_start3A_109, %dma_start3A_110] : memref<256x64xf32, #tpu.memory_space<vmem>> -> memref<64x64xf32, #tpu.memory_space<vmem>>
    %dma_start3A_112 = arith.constant 256 : i32
    %dma_start3A_113 = tpu.memref_slice %arg9[%dma_start3A_112] : memref<512xi32, #tpu.memory_space<vmem>> -> memref<64xi32, #tpu.memory_space<vmem>>
    %dma_start3A_114 = arith.constant 0 : i32
    %dma_start3A_115 = arith.constant 0 : i32
    %dma_start3A_116 = tpu.memref_slice %arg5[%dma_start3A_114, %dma_start3A_115] : memref<1000000x64xf32, #tpu.memory_space<hbm>> -> memref<1000000x64xf32, #tpu.memory_space<hbm>>
    tpu.enqueue_indirect_dma source(%dma_start3A_116 : memref<1000000x64xf32, #tpu.memory_space<hbm>>) target(%dma_start3A_111 : memref<64x64xf32, #tpu.memory_space<vmem>>) offsets(%dma_start3A_113 : memref<64xi32, #tpu.memory_space<vmem>>) semaphore(%arg19 : memref<!tpu.dma_semaphore, #tpu.memory_space<semaphore_mem>>)
    %dma_start3A_117 = arith.constant 0 : i32
    %dma_start3A_118 = arith.constant 0 : i32
    %dma_start3A_119 = tpu.memref_slice %arg16[%dma_start3A_117, %dma_start3A_118] : memref<256x64xf32, #tpu.memory_space<vmem>> -> memref<64x64xf32, #tpu.memory_space<vmem>>
    %dma_start3A_120 = arith.constant 256 : i32
    %dma_start3A_121 = tpu.memref_slice %arg10[%dma_start3A_120] : memref<512xi32, #tpu.memory_space<vmem>> -> memref<64xi32, #tpu.memory_space<vmem>>
    %dma_start3A_122 = arith.constant 0 : i32
    %dma_start3A_123 = arith.constant 0 : i32
    %dma_start3A_124 = tpu.memref_slice %arg6[%dma_start3A_122, %dma_start3A_123] : memref<1000x64xf32, #tpu.memory_space<hbm>> -> memref<1000x64xf32, #tpu.memory_space<hbm>>
    tpu.enqueue_indirect_dma source(%dma_start3A_124 : memref<1000x64xf32, #tpu.memory_space<hbm>>) target(%dma_start3A_119 : memref<64x64xf32, #tpu.memory_space<vmem>>) offsets(%dma_start3A_121 : memref<64xi32, #tpu.memory_space<vmem>>) semaphore(%arg19 : memref<!tpu.dma_semaphore, #tpu.memory_space<semaphore_mem>>)
    %dma_start3A_125 = arith.constant 64 : i32
    %dma_start3A_126 = arith.constant 0 : i32
    %dma_start3A_127 = tpu.memref_slice %arg14[%dma_start3A_125, %dma_start3A_126] : memref<256x64xf32, #tpu.memory_space<vmem>> -> memref<64x64xf32, #tpu.memory_space<vmem>>
    %dma_start3A_128 = arith.constant 320 : i32
    %dma_start3A_129 = tpu.memref_slice %arg8[%dma_start3A_128] : memref<512xi32, #tpu.memory_space<vmem>> -> memref<64xi32, #tpu.memory_space<vmem>>
    %dma_start3A_130 = arith.constant 0 : i32
    %dma_start3A_131 = arith.constant 0 : i32
    %dma_start3A_132 = tpu.memref_slice %arg5[%dma_start3A_130, %dma_start3A_131] : memref<1000000x64xf32, #tpu.memory_space<hbm>> -> memref<1000000x64xf32, #tpu.memory_space<hbm>>
    tpu.enqueue_indirect_dma source(%dma_start3A_132 : memref<1000000x64xf32, #tpu.memory_space<hbm>>) target(%dma_start3A_127 : memref<64x64xf32, #tpu.memory_space<vmem>>) offsets(%dma_start3A_129 : memref<64xi32, #tpu.memory_space<vmem>>) semaphore(%arg19 : memref<!tpu.dma_semaphore, #tpu.memory_space<semaphore_mem>>)
    %dma_start3A_133 = arith.constant 64 : i32
    %dma_start3A_134 = arith.constant 0 : i32
    %dma_start3A_135 = tpu.memref_slice %arg15[%dma_start3A_133, %dma_start3A_134] : memref<256x64xf32, #tpu.memory_space<vmem>> -> memref<64x64xf32, #tpu.memory_space<vmem>>
    %dma_start3A_136 = arith.constant 320 : i32
    %dma_start3A_137 = tpu.memref_slice %arg9[%dma_start3A_136] : memref<512xi32, #tpu.memory_space<vmem>> -> memref<64xi32, #tpu.memory_space<vmem>>
    %dma_start3A_138 = arith.constant 0 : i32
    %dma_start3A_139 = arith.constant 0 : i32
    %dma_start3A_140 = tpu.memref_slice %arg5[%dma_start3A_138, %dma_start3A_139] : memref<1000000x64xf32, #tpu.memory_space<hbm>> -> memref<1000000x64xf32, #tpu.memory_space<hbm>>
    tpu.enqueue_indirect_dma source(%dma_start3A_140 : memref<1000000x64xf32, #tpu.memory_space<hbm>>) target(%dma_start3A_135 : memref<64x64xf32, #tpu.memory_space<vmem>>) offsets(%dma_start3A_137 : memref<64xi32, #tpu.memory_space<vmem>>) semaphore(%arg19 : memref<!tpu.dma_semaphore, #tpu.memory_space<semaphore_mem>>)
    %dma_start3A_141 = arith.constant 64 : i32
    %dma_start3A_142 = arith.constant 0 : i32
    %dma_start3A_143 = tpu.memref_slice %arg16[%dma_start3A_141, %dma_start3A_142] : memref<256x64xf32, #tpu.memory_space<vmem>> -> memref<64x64xf32, #tpu.memory_space<vmem>>
    %dma_start3A_144 = arith.constant 320 : i32
    %dma_start3A_145 = tpu.memref_slice %arg10[%dma_start3A_144] : memref<512xi32, #tpu.memory_space<vmem>> -> memref<64xi32, #tpu.memory_space<vmem>>
    %dma_start3A_146 = arith.constant 0 : i32
    %dma_start3A_147 = arith.constant 0 : i32
    %dma_start3A_148 = tpu.memref_slice %arg6[%dma_start3A_146, %dma_start3A_147] : memref<1000x64xf32, #tpu.memory_space<hbm>> -> memref<1000x64xf32, #tpu.memory_space<hbm>>
    tpu.enqueue_indirect_dma source(%dma_start3A_148 : memref<1000x64xf32, #tpu.memory_space<hbm>>) target(%dma_start3A_143 : memref<64x64xf32, #tpu.memory_space<vmem>>) offsets(%dma_start3A_145 : memref<64xi32, #tpu.memory_space<vmem>>) semaphore(%arg19 : memref<!tpu.dma_semaphore, #tpu.memory_space<semaphore_mem>>)
    %dma_start3A_149 = arith.constant 128 : i32
    %dma_start3A_150 = arith.constant 0 : i32
    %dma_start3A_151 = tpu.memref_slice %arg14[%dma_start3A_149, %dma_start3A_150] : memref<256x64xf32, #tpu.memory_space<vmem>> -> memref<64x64xf32, #tpu.memory_space<vmem>>
    %dma_start3A_152 = arith.constant 384 : i32
    %dma_start3A_153 = tpu.memref_slice %arg8[%dma_start3A_152] : memref<512xi32, #tpu.memory_space<vmem>> -> memref<64xi32, #tpu.memory_space<vmem>>
    %dma_start3A_154 = arith.constant 0 : i32
    %dma_start3A_155 = arith.constant 0 : i32
    %dma_start3A_156 = tpu.memref_slice %arg5[%dma_start3A_154, %dma_start3A_155] : memref<1000000x64xf32, #tpu.memory_space<hbm>> -> memref<1000000x64xf32, #tpu.memory_space<hbm>>
    tpu.enqueue_indirect_dma source(%dma_start3A_156 : memref<1000000x64xf32, #tpu.memory_space<hbm>>) target(%dma_start3A_151 : memref<64x64xf32, #tpu.memory_space<vmem>>) offsets(%dma_start3A_153 : memref<64xi32, #tpu.memory_space<vmem>>) semaphore(%arg19 : memref<!tpu.dma_semaphore, #tpu.memory_space<semaphore_mem>>)
    %dma_start3A_157 = arith.constant 128 : i32
    %dma_start3A_158 = arith.constant 0 : i32
    %dma_start3A_159 = tpu.memref_slice %arg15[%dma_start3A_157, %dma_start3A_158] : memref<256x64xf32, #tpu.memory_space<vmem>> -> memref<64x64xf32, #tpu.memory_space<vmem>>
    %dma_start3A_160 = arith.constant 384 : i32
    %dma_start3A_161 = tpu.memref_slice %arg9[%dma_start3A_160] : memref<512xi32, #tpu.memory_space<vmem>> -> memref<64xi32, #tpu.memory_space<vmem>>
    %dma_start3A_162 = arith.constant 0 : i32
    %dma_start3A_163 = arith.constant 0 : i32
    %dma_start3A_164 = tpu.memref_slice %arg5[%dma_start3A_162, %dma_start3A_163] : memref<1000000x64xf32, #tpu.memory_space<hbm>> -> memref<1000000x64xf32, #tpu.memory_space<hbm>>
    tpu.enqueue_indirect_dma source(%dma_start3A_164 : memref<1000000x64xf32, #tpu.memory_space<hbm>>) target(%dma_start3A_159 : memref<64x64xf32, #tpu.memory_space<vmem>>) offsets(%dma_start3A_161 : memref<64xi32, #tpu.memory_space<vmem>>) semaphore(%arg19 : memref<!tpu.dma_semaphore, #tpu.memory_space<semaphore_mem>>)
    %dma_start3A_165 = arith.constant 128 : i32
    %dma_start3A_166 = arith.constant 0 : i32
    %dma_start3A_167 = tpu.memref_slice %arg16[%dma_start3A_165, %dma_start3A_166] : memref<256x64xf32, #tpu.memory_space<vmem>> -> memref<64x64xf32, #tpu.memory_space<vmem>>
    %dma_start3A_168 = arith.constant 384 : i32
    %dma_start3A_169 = tpu.memref_slice %arg10[%dma_start3A_168] : memref<512xi32, #tpu.memory_space<vmem>> -> memref<64xi32, #tpu.memory_space<vmem>>
    %dma_start3A_170 = arith.constant 0 : i32
    %dma_start3A_171 = arith.constant 0 : i32
    %dma_start3A_172 = tpu.memref_slice %arg6[%dma_start3A_170, %dma_start3A_171] : memref<1000x64xf32, #tpu.memory_space<hbm>> -> memref<1000x64xf32, #tpu.memory_space<hbm>>
    tpu.enqueue_indirect_dma source(%dma_start3A_172 : memref<1000x64xf32, #tpu.memory_space<hbm>>) target(%dma_start3A_167 : memref<64x64xf32, #tpu.memory_space<vmem>>) offsets(%dma_start3A_169 : memref<64xi32, #tpu.memory_space<vmem>>) semaphore(%arg19 : memref<!tpu.dma_semaphore, #tpu.memory_space<semaphore_mem>>)
    %dma_start3A_173 = arith.constant 192 : i32
    %dma_start3A_174 = arith.constant 0 : i32
    %dma_start3A_175 = tpu.memref_slice %arg14[%dma_start3A_173, %dma_start3A_174] : memref<256x64xf32, #tpu.memory_space<vmem>> -> memref<64x64xf32, #tpu.memory_space<vmem>>
    %dma_start3A_176 = arith.constant 448 : i32
    %dma_start3A_177 = tpu.memref_slice %arg8[%dma_start3A_176] : memref<512xi32, #tpu.memory_space<vmem>> -> memref<64xi32, #tpu.memory_space<vmem>>
    %dma_start3A_178 = arith.constant 0 : i32
    %dma_start3A_179 = arith.constant 0 : i32
    %dma_start3A_180 = tpu.memref_slice %arg5[%dma_start3A_178, %dma_start3A_179] : memref<1000000x64xf32, #tpu.memory_space<hbm>> -> memref<1000000x64xf32, #tpu.memory_space<hbm>>
    tpu.enqueue_indirect_dma source(%dma_start3A_180 : memref<1000000x64xf32, #tpu.memory_space<hbm>>) target(%dma_start3A_175 : memref<64x64xf32, #tpu.memory_space<vmem>>) offsets(%dma_start3A_177 : memref<64xi32, #tpu.memory_space<vmem>>) semaphore(%arg19 : memref<!tpu.dma_semaphore, #tpu.memory_space<semaphore_mem>>)
    %dma_start3A_181 = arith.constant 192 : i32
    %dma_start3A_182 = arith.constant 0 : i32
    %dma_start3A_183 = tpu.memref_slice %arg15[%dma_start3A_181, %dma_start3A_182] : memref<256x64xf32, #tpu.memory_space<vmem>> -> memref<64x64xf32, #tpu.memory_space<vmem>>
    %dma_start3A_184 = arith.constant 448 : i32
    %dma_start3A_185 = tpu.memref_slice %arg9[%dma_start3A_184] : memref<512xi32, #tpu.memory_space<vmem>> -> memref<64xi32, #tpu.memory_space<vmem>>
    %dma_start3A_186 = arith.constant 0 : i32
    %dma_start3A_187 = arith.constant 0 : i32
    %dma_start3A_188 = tpu.memref_slice %arg5[%dma_start3A_186, %dma_start3A_187] : memref<1000000x64xf32, #tpu.memory_space<hbm>> -> memref<1000000x64xf32, #tpu.memory_space<hbm>>
    tpu.enqueue_indirect_dma source(%dma_start3A_188 : memref<1000000x64xf32, #tpu.memory_space<hbm>>) target(%dma_start3A_183 : memref<64x64xf32, #tpu.memory_space<vmem>>) offsets(%dma_start3A_185 : memref<64xi32, #tpu.memory_space<vmem>>) semaphore(%arg19 : memref<!tpu.dma_semaphore, #tpu.memory_space<semaphore_mem>>)
    %dma_start3A_189 = arith.constant 192 : i32
    %dma_start3A_190 = arith.constant 0 : i32
    %dma_start3A_191 = tpu.memref_slice %arg16[%dma_start3A_189, %dma_start3A_190] : memref<256x64xf32, #tpu.memory_space<vmem>> -> memref<64x64xf32, #tpu.memory_space<vmem>>
    %dma_start3A_192 = arith.constant 448 : i32
    %dma_start3A_193 = tpu.memref_slice %arg10[%dma_start3A_192] : memref<512xi32, #tpu.memory_space<vmem>> -> memref<64xi32, #tpu.memory_space<vmem>>
    %dma_start3A_194 = arith.constant 0 : i32
    %dma_start3A_195 = arith.constant 0 : i32
    %dma_start3A_196 = tpu.memref_slice %arg6[%dma_start3A_194, %dma_start3A_195] : memref<1000x64xf32, #tpu.memory_space<hbm>> -> memref<1000x64xf32, #tpu.memory_space<hbm>>
    tpu.enqueue_indirect_dma source(%dma_start3A_196 : memref<1000x64xf32, #tpu.memory_space<hbm>>) target(%dma_start3A_191 : memref<64x64xf32, #tpu.memory_space<vmem>>) offsets(%dma_start3A_193 : memref<64xi32, #tpu.memory_space<vmem>>) semaphore(%arg19 : memref<!tpu.dma_semaphore, #tpu.memory_space<semaphore_mem>>)
    %dma_wait3A = arith.constant 0 : i32
    %dma_wait3A_197 = arith.constant 0 : i32
    %dma_wait3A_198 = tpu.memref_slice %arg11[%dma_wait3A, %dma_wait3A_197] : memref<256x64xf32, #tpu.memory_space<vmem>> -> memref<64x64xf32, #tpu.memory_space<vmem>>
    %dma_wait3A_199 = arith.constant 0 : i32
    %dma_wait3A_200 = tpu.memref_slice %arg8[%dma_wait3A_199] : memref<512xi32, #tpu.memory_space<vmem>> -> memref<64xi32, #tpu.memory_space<vmem>>
    %dma_wait3A_201 = arith.constant 0 : i32
    %dma_wait3A_202 = arith.constant 0 : i32
    %dma_wait3A_203 = tpu.memref_slice %arg5[%dma_wait3A_201, %dma_wait3A_202] : memref<1000000x64xf32, #tpu.memory_space<hbm>> -> memref<1000000x64xf32, #tpu.memory_space<hbm>>
    tpu.wait_indirect_dma semaphore(%arg18 : memref<!tpu.dma_semaphore, #tpu.memory_space<semaphore_mem>>) src(%dma_wait3A_203 : memref<1000000x64xf32, #tpu.memory_space<hbm>>) dst(%dma_wait3A_198 : memref<64x64xf32, #tpu.memory_space<vmem>>)
    %dma_wait3A_204 = arith.constant 0 : i32
    %dma_wait3A_205 = arith.constant 0 : i32
    %dma_wait3A_206 = tpu.memref_slice %arg12[%dma_wait3A_204, %dma_wait3A_205] : memref<256x64xf32, #tpu.memory_space<vmem>> -> memref<64x64xf32, #tpu.memory_space<vmem>>
    %dma_wait3A_207 = arith.constant 0 : i32
    %dma_wait3A_208 = tpu.memref_slice %arg9[%dma_wait3A_207] : memref<512xi32, #tpu.memory_space<vmem>> -> memref<64xi32, #tpu.memory_space<vmem>>
    %dma_wait3A_209 = arith.constant 0 : i32
    %dma_wait3A_210 = arith.constant 0 : i32
    %dma_wait3A_211 = tpu.memref_slice %arg5[%dma_wait3A_209, %dma_wait3A_210] : memref<1000000x64xf32, #tpu.memory_space<hbm>> -> memref<1000000x64xf32, #tpu.memory_space<hbm>>
    tpu.wait_indirect_dma semaphore(%arg18 : memref<!tpu.dma_semaphore, #tpu.memory_space<semaphore_mem>>) src(%dma_wait3A_211 : memref<1000000x64xf32, #tpu.memory_space<hbm>>) dst(%dma_wait3A_206 : memref<64x64xf32, #tpu.memory_space<vmem>>)
    %dma_wait3A_212 = arith.constant 0 : i32
    %dma_wait3A_213 = arith.constant 0 : i32
    %dma_wait3A_214 = tpu.memref_slice %arg13[%dma_wait3A_212, %dma_wait3A_213] : memref<256x64xf32, #tpu.memory_space<vmem>> -> memref<64x64xf32, #tpu.memory_space<vmem>>
    %dma_wait3A_215 = arith.constant 0 : i32
    %dma_wait3A_216 = tpu.memref_slice %arg10[%dma_wait3A_215] : memref<512xi32, #tpu.memory_space<vmem>> -> memref<64xi32, #tpu.memory_space<vmem>>
    %dma_wait3A_217 = arith.constant 0 : i32
    %dma_wait3A_218 = arith.constant 0 : i32
    %dma_wait3A_219 = tpu.memref_slice %arg6[%dma_wait3A_217, %dma_wait3A_218] : memref<1000x64xf32, #tpu.memory_space<hbm>> -> memref<1000x64xf32, #tpu.memory_space<hbm>>
    tpu.wait_indirect_dma semaphore(%arg18 : memref<!tpu.dma_semaphore, #tpu.memory_space<semaphore_mem>>) src(%dma_wait3A_219 : memref<1000x64xf32, #tpu.memory_space<hbm>>) dst(%dma_wait3A_214 : memref<64x64xf32, #tpu.memory_space<vmem>>)
    %dma_wait3A_220 = arith.constant 64 : i32
    %dma_wait3A_221 = arith.constant 0 : i32
    %dma_wait3A_222 = tpu.memref_slice %arg11[%dma_wait3A_220, %dma_wait3A_221] : memref<256x64xf32, #tpu.memory_space<vmem>> -> memref<64x64xf32, #tpu.memory_space<vmem>>
    %dma_wait3A_223 = arith.constant 64 : i32
    %dma_wait3A_224 = tpu.memref_slice %arg8[%dma_wait3A_223] : memref<512xi32, #tpu.memory_space<vmem>> -> memref<64xi32, #tpu.memory_space<vmem>>
    %dma_wait3A_225 = arith.constant 0 : i32
    %dma_wait3A_226 = arith.constant 0 : i32
    %dma_wait3A_227 = tpu.memref_slice %arg5[%dma_wait3A_225, %dma_wait3A_226] : memref<1000000x64xf32, #tpu.memory_space<hbm>> -> memref<1000000x64xf32, #tpu.memory_space<hbm>>
    tpu.wait_indirect_dma semaphore(%arg18 : memref<!tpu.dma_semaphore, #tpu.memory_space<semaphore_mem>>) src(%dma_wait3A_227 : memref<1000000x64xf32, #tpu.memory_space<hbm>>) dst(%dma_wait3A_222 : memref<64x64xf32, #tpu.memory_space<vmem>>)
    %dma_wait3A_228 = arith.constant 64 : i32
    %dma_wait3A_229 = arith.constant 0 : i32
    %dma_wait3A_230 = tpu.memref_slice %arg12[%dma_wait3A_228, %dma_wait3A_229] : memref<256x64xf32, #tpu.memory_space<vmem>> -> memref<64x64xf32, #tpu.memory_space<vmem>>
    %dma_wait3A_231 = arith.constant 64 : i32
    %dma_wait3A_232 = tpu.memref_slice %arg9[%dma_wait3A_231] : memref<512xi32, #tpu.memory_space<vmem>> -> memref<64xi32, #tpu.memory_space<vmem>>
    %dma_wait3A_233 = arith.constant 0 : i32
    %dma_wait3A_234 = arith.constant 0 : i32
    %dma_wait3A_235 = tpu.memref_slice %arg5[%dma_wait3A_233, %dma_wait3A_234] : memref<1000000x64xf32, #tpu.memory_space<hbm>> -> memref<1000000x64xf32, #tpu.memory_space<hbm>>
    tpu.wait_indirect_dma semaphore(%arg18 : memref<!tpu.dma_semaphore, #tpu.memory_space<semaphore_mem>>) src(%dma_wait3A_235 : memref<1000000x64xf32, #tpu.memory_space<hbm>>) dst(%dma_wait3A_230 : memref<64x64xf32, #tpu.memory_space<vmem>>)
    %dma_wait3A_236 = arith.constant 64 : i32
    %dma_wait3A_237 = arith.constant 0 : i32
    %dma_wait3A_238 = tpu.memref_slice %arg13[%dma_wait3A_236, %dma_wait3A_237] : memref<256x64xf32, #tpu.memory_space<vmem>> -> memref<64x64xf32, #tpu.memory_space<vmem>>
    %dma_wait3A_239 = arith.constant 64 : i32
    %dma_wait3A_240 = tpu.memref_slice %arg10[%dma_wait3A_239] : memref<512xi32, #tpu.memory_space<vmem>> -> memref<64xi32, #tpu.memory_space<vmem>>
    %dma_wait3A_241 = arith.constant 0 : i32
    %dma_wait3A_242 = arith.constant 0 : i32
    %dma_wait3A_243 = tpu.memref_slice %arg6[%dma_wait3A_241, %dma_wait3A_242] : memref<1000x64xf32, #tpu.memory_space<hbm>> -> memref<1000x64xf32, #tpu.memory_space<hbm>>
    tpu.wait_indirect_dma semaphore(%arg18 : memref<!tpu.dma_semaphore, #tpu.memory_space<semaphore_mem>>) src(%dma_wait3A_243 : memref<1000x64xf32, #tpu.memory_space<hbm>>) dst(%dma_wait3A_238 : memref<64x64xf32, #tpu.memory_space<vmem>>)
    %dma_wait3A_244 = arith.constant 128 : i32
    %dma_wait3A_245 = arith.constant 0 : i32
    %dma_wait3A_246 = tpu.memref_slice %arg11[%dma_wait3A_244, %dma_wait3A_245] : memref<256x64xf32, #tpu.memory_space<vmem>> -> memref<64x64xf32, #tpu.memory_space<vmem>>
    %dma_wait3A_247 = arith.constant 128 : i32
    %dma_wait3A_248 = tpu.memref_slice %arg8[%dma_wait3A_247] : memref<512xi32, #tpu.memory_space<vmem>> -> memref<64xi32, #tpu.memory_space<vmem>>
    %dma_wait3A_249 = arith.constant 0 : i32
    %dma_wait3A_250 = arith.constant 0 : i32
    %dma_wait3A_251 = tpu.memref_slice %arg5[%dma_wait3A_249, %dma_wait3A_250] : memref<1000000x64xf32, #tpu.memory_space<hbm>> -> memref<1000000x64xf32, #tpu.memory_space<hbm>>
    tpu.wait_indirect_dma semaphore(%arg18 : memref<!tpu.dma_semaphore, #tpu.memory_space<semaphore_mem>>) src(%dma_wait3A_251 : memref<1000000x64xf32, #tpu.memory_space<hbm>>) dst(%dma_wait3A_246 : memref<64x64xf32, #tpu.memory_space<vmem>>)
    %dma_wait3A_252 = arith.constant 128 : i32
    %dma_wait3A_253 = arith.constant 0 : i32
    %dma_wait3A_254 = tpu.memref_slice %arg12[%dma_wait3A_252, %dma_wait3A_253] : memref<256x64xf32, #tpu.memory_space<vmem>> -> memref<64x64xf32, #tpu.memory_space<vmem>>
    %dma_wait3A_255 = arith.constant 128 : i32
    %dma_wait3A_256 = tpu.memref_slice %arg9[%dma_wait3A_255] : memref<512xi32, #tpu.memory_space<vmem>> -> memref<64xi32, #tpu.memory_space<vmem>>
    %dma_wait3A_257 = arith.constant 0 : i32
    %dma_wait3A_258 = arith.constant 0 : i32
    %dma_wait3A_259 = tpu.memref_slice %arg5[%dma_wait3A_257, %dma_wait3A_258] : memref<1000000x64xf32, #tpu.memory_space<hbm>> -> memref<1000000x64xf32, #tpu.memory_space<hbm>>
    tpu.wait_indirect_dma semaphore(%arg18 : memref<!tpu.dma_semaphore, #tpu.memory_space<semaphore_mem>>) src(%dma_wait3A_259 : memref<1000000x64xf32, #tpu.memory_space<hbm>>) dst(%dma_wait3A_254 : memref<64x64xf32, #tpu.memory_space<vmem>>)
    %dma_wait3A_260 = arith.constant 128 : i32
    %dma_wait3A_261 = arith.constant 0 : i32
    %dma_wait3A_262 = tpu.memref_slice %arg13[%dma_wait3A_260, %dma_wait3A_261] : memref<256x64xf32, #tpu.memory_space<vmem>> -> memref<64x64xf32, #tpu.memory_space<vmem>>
    %dma_wait3A_263 = arith.constant 128 : i32
    %dma_wait3A_264 = tpu.memref_slice %arg10[%dma_wait3A_263] : memref<512xi32, #tpu.memory_space<vmem>> -> memref<64xi32, #tpu.memory_space<vmem>>
    %dma_wait3A_265 = arith.constant 0 : i32
    %dma_wait3A_266 = arith.constant 0 : i32
    %dma_wait3A_267 = tpu.memref_slice %arg6[%dma_wait3A_265, %dma_wait3A_266] : memref<1000x64xf32, #tpu.memory_space<hbm>> -> memref<1000x64xf32, #tpu.memory_space<hbm>>
    tpu.wait_indirect_dma semaphore(%arg18 : memref<!tpu.dma_semaphore, #tpu.memory_space<semaphore_mem>>) src(%dma_wait3A_267 : memref<1000x64xf32, #tpu.memory_space<hbm>>) dst(%dma_wait3A_262 : memref<64x64xf32, #tpu.memory_space<vmem>>)
    %dma_wait3A_268 = arith.constant 192 : i32
    %dma_wait3A_269 = arith.constant 0 : i32
    %dma_wait3A_270 = tpu.memref_slice %arg11[%dma_wait3A_268, %dma_wait3A_269] : memref<256x64xf32, #tpu.memory_space<vmem>> -> memref<64x64xf32, #tpu.memory_space<vmem>>
    %dma_wait3A_271 = arith.constant 192 : i32
    %dma_wait3A_272 = tpu.memref_slice %arg8[%dma_wait3A_271] : memref<512xi32, #tpu.memory_space<vmem>> -> memref<64xi32, #tpu.memory_space<vmem>>
    %dma_wait3A_273 = arith.constant 0 : i32
    %dma_wait3A_274 = arith.constant 0 : i32
    %dma_wait3A_275 = tpu.memref_slice %arg5[%dma_wait3A_273, %dma_wait3A_274] : memref<1000000x64xf32, #tpu.memory_space<hbm>> -> memref<1000000x64xf32, #tpu.memory_space<hbm>>
    tpu.wait_indirect_dma semaphore(%arg18 : memref<!tpu.dma_semaphore, #tpu.memory_space<semaphore_mem>>) src(%dma_wait3A_275 : memref<1000000x64xf32, #tpu.memory_space<hbm>>) dst(%dma_wait3A_270 : memref<64x64xf32, #tpu.memory_space<vmem>>)
    %dma_wait3A_276 = arith.constant 192 : i32
    %dma_wait3A_277 = arith.constant 0 : i32
    %dma_wait3A_278 = tpu.memref_slice %arg12[%dma_wait3A_276, %dma_wait3A_277] : memref<256x64xf32, #tpu.memory_space<vmem>> -> memref<64x64xf32, #tpu.memory_space<vmem>>
    %dma_wait3A_279 = arith.constant 192 : i32
    %dma_wait3A_280 = tpu.memref_slice %arg9[%dma_wait3A_279] : memref<512xi32, #tpu.memory_space<vmem>> -> memref<64xi32, #tpu.memory_space<vmem>>
    %dma_wait3A_281 = arith.constant 0 : i32
    %dma_wait3A_282 = arith.constant 0 : i32
    %dma_wait3A_283 = tpu.memref_slice %arg5[%dma_wait3A_281, %dma_wait3A_282] : memref<1000000x64xf32, #tpu.memory_space<hbm>> -> memref<1000000x64xf32, #tpu.memory_space<hbm>>
    tpu.wait_indirect_dma semaphore(%arg18 : memref<!tpu.dma_semaphore, #tpu.memory_space<semaphore_mem>>) src(%dma_wait3A_283 : memref<1000000x64xf32, #tpu.memory_space<hbm>>) dst(%dma_wait3A_278 : memref<64x64xf32, #tpu.memory_space<vmem>>)
    %dma_wait3A_284 = arith.constant 192 : i32
    %dma_wait3A_285 = arith.constant 0 : i32
    %dma_wait3A_286 = tpu.memref_slice %arg13[%dma_wait3A_284, %dma_wait3A_285] : memref<256x64xf32, #tpu.memory_space<vmem>> -> memref<64x64xf32, #tpu.memory_space<vmem>>
    %dma_wait3A_287 = arith.constant 192 : i32
    %dma_wait3A_288 = tpu.memref_slice %arg10[%dma_wait3A_287] : memref<512xi32, #tpu.memory_space<vmem>> -> memref<64xi32, #tpu.memory_space<vmem>>
    %dma_wait3A_289 = arith.constant 0 : i32
    %dma_wait3A_290 = arith.constant 0 : i32
    %dma_wait3A_291 = tpu.memref_slice %arg6[%dma_wait3A_289, %dma_wait3A_290] : memref<1000x64xf32, #tpu.memory_space<hbm>> -> memref<1000x64xf32, #tpu.memory_space<hbm>>
    tpu.wait_indirect_dma semaphore(%arg18 : memref<!tpu.dma_semaphore, #tpu.memory_space<semaphore_mem>>) src(%dma_wait3A_291 : memref<1000x64xf32, #tpu.memory_space<hbm>>) dst(%dma_wait3A_286 : memref<64x64xf32, #tpu.memory_space<vmem>>)
    %scan3A = arith.constant 0 : i32
    %scan3A_292 = arith.constant 0 : i32
    %scan3A_293 = arith.constant 256 : i32
    %scan3A_294 = arith.addi %scan3A_292, %scan3A_293 : i32
    %scan3A_295 = arith.constant 1 : i32
    %scan3A_296 = scf.for %scan3A_401 = %scan3A_292 to %scan3A_294 step %scan3A_295 iter_args(%scan3A_402 = %scan3A) -> (i32)  : i32 {
      %broadcast_in_dim3A_403 = arith.constant 0.000000e+00 : f32
      %broadcast_in_dim3A_404 = vector.broadcast %broadcast_in_dim3A_403 : f32 to vector<16xf32>
      %get3A = arith.index_cast %scan3A_401 : i32 to index
      %get3A_405 = arith.constant 0 : index
      %get3A_406 = tpu.vector_load %arg11[%get3A, %get3A_405] {strides = array<i32>} : memref<256x64xf32, #tpu.memory_space<vmem>>, vector<16xf32>,
      %get3A_407 = arith.index_cast %scan3A_401 : i32 to index
      %get3A_408 = arith.constant 0 : index
      %get3A_409 = tpu.vector_load %arg12[%get3A_407, %get3A_408] {strides = array<i32>} : memref<256x64xf32, #tpu.memory_space<vmem>>, vector<16xf32>,
      %get3A_410 = arith.index_cast %scan3A_401 : i32 to index
      %get3A_411 = arith.constant 0 : index
      %get3A_412 = tpu.vector_load %arg13[%get3A_410, %get3A_411] {strides = array<i32>} : memref<256x64xf32, #tpu.memory_space<vmem>>, vector<16xf32>,
      %add3A_413 = arith.addf %get3A_406, %get3A_412 : vector<16xf32>
      %sub3A = arith.subf %add3A_413, %get3A_409 : vector<16xf32>
      %abs3A = math.absf %sub3A : vector<16xf32>
      %add3A_414 = arith.addf %broadcast_in_dim3A_404, %abs3A : vector<16xf32>
      %get3A_415 = arith.index_cast %scan3A_401 : i32 to index
      %get3A_416 = arith.constant 16 : index
      %get3A_417 = tpu.vector_load %arg11[%get3A_415, %get3A_416] {strides = array<i32>} : memref<256x64xf32, #tpu.memory_space<vmem>>, vector<16xf32>,
      %get3A_418 = arith.index_cast %scan3A_401 : i32 to index
      %get3A_419 = arith.constant 16 : index
      %get3A_420 = tpu.vector_load %arg12[%get3A_418, %get3A_419] {strides = array<i32>} : memref<256x64xf32, #tpu.memory_space<vmem>>, vector<16xf32>,
      %get3A_421 = arith.index_cast %scan3A_401 : i32 to index
      %get3A_422 = arith.constant 16 : index
      %get3A_423 = tpu.vector_load %arg13[%get3A_421, %get3A_422] {strides = array<i32>} : memref<256x64xf32, #tpu.memory_space<vmem>>, vector<16xf32>,
      %add3A_424 = arith.addf %get3A_417, %get3A_423 : vector<16xf32>
      %sub3A_425 = arith.subf %add3A_424, %get3A_420 : vector<16xf32>
      %abs3A_426 = math.absf %sub3A_425 : vector<16xf32>
      %add3A_427 = arith.addf %add3A_414, %abs3A_426 : vector<16xf32>
      %get3A_428 = arith.index_cast %scan3A_401 : i32 to index
      %get3A_429 = arith.constant 32 : index
      %get3A_430 = tpu.vector_load %arg11[%get3A_428, %get3A_429] {strides = array<i32>} : memref<256x64xf32, #tpu.memory_space<vmem>>, vector<16xf32>,
      %get3A_431 = arith.index_cast %scan3A_401 : i32 to index
      %get3A_432 = arith.constant 32 : index
      %get3A_433 = tpu.vector_load %arg12[%get3A_431, %get3A_432] {strides = array<i32>} : memref<256x64xf32, #tpu.memory_space<vmem>>, vector<16xf32>,
      %get3A_434 = arith.index_cast %scan3A_401 : i32 to index
      %get3A_435 = arith.constant 32 : index
      %get3A_436 = tpu.vector_load %arg13[%get3A_434, %get3A_435] {strides = array<i32>} : memref<256x64xf32, #tpu.memory_space<vmem>>, vector<16xf32>,
      %add3A_437 = arith.addf %get3A_430, %get3A_436 : vector<16xf32>
      %sub3A_438 = arith.subf %add3A_437, %get3A_433 : vector<16xf32>
      %abs3A_439 = math.absf %sub3A_438 : vector<16xf32>
      %add3A_440 = arith.addf %add3A_427, %abs3A_439 : vector<16xf32>
      %get3A_441 = arith.index_cast %scan3A_401 : i32 to index
      %get3A_442 = arith.constant 48 : index
      %get3A_443 = tpu.vector_load %arg11[%get3A_441, %get3A_442] {strides = array<i32>} : memref<256x64xf32, #tpu.memory_space<vmem>>, vector<16xf32>,
      %get3A_444 = arith.index_cast %scan3A_401 : i32 to index
      %get3A_445 = arith.constant 48 : index
      %get3A_446 = tpu.vector_load %arg12[%get3A_444, %get3A_445] {strides = array<i32>} : memref<256x64xf32, #tpu.memory_space<vmem>>, vector<16xf32>,
      %get3A_447 = arith.index_cast %scan3A_401 : i32 to index
      %get3A_448 = arith.constant 48 : index
      %get3A_449 = tpu.vector_load %arg13[%get3A_447, %get3A_448] {strides = array<i32>} : memref<256x64xf32, #tpu.memory_space<vmem>>, vector<16xf32>,
      %add3A_450 = arith.addf %get3A_443, %get3A_449 : vector<16xf32>
      %sub3A_451 = arith.subf %add3A_450, %get3A_446 : vector<16xf32>
      %abs3A_452 = math.absf %sub3A_451 : vector<16xf32>
      %add3A_453 = arith.addf %add3A_440, %abs3A_452 : vector<16xf32>
      %broadcast_in_dim3A_454 = arith.constant true
      %broadcast_in_dim3A_455 = vector.broadcast %broadcast_in_dim3A_454 : i1 to vector<16xi1>
      %masked_cumsum3A = tpu.scan <sum>, %add3A_453 masked %broadcast_in_dim3A_455 : vector<16xf32>, vector<16xi1> -> vector<16xf32>
      %add3A_456 = arith.constant 0 : i32
      %add3A_457 = arith.addi %add3A_456, %scan3A_401 : i32
      %add3A_458 = vector.broadcast %add3A_457 : i32 to vector<16xi32>
      %add3A_459 = arith.addi %broadcast_in_dim3A_5, %add3A_458 : vector<16xi32>
      %neg3A = arith.constant 0.000000e+00 : f32
      %neg3A_460 = vector.broadcast %neg3A : f32 to vector<16xf32>
      %neg3A_461 = arith.subf %neg3A_460, %masked_cumsum3A : vector<16xf32>
      tpu.vector_store_idx %arg17[%add3A_459], %neg3A_461 masked %eq3A_4 : memref<512xf32, #tpu.memory_space<vmem>>[vector<16xi32>], vector<16xf32>, vector<16xi1>
      %scan3A_462 = arith.constant 0 : i32
      scf.yield %scan3A_462 : i32
    }
    %scan3A_297 = arith.constant 256 : i32
    %dma_wait3A_298 = arith.constant 0 : i32
    %dma_wait3A_299 = arith.constant 0 : i32
    %dma_wait3A_300 = tpu.memref_slice %arg14[%dma_wait3A_298, %dma_wait3A_299] : memref<256x64xf32, #tpu.memory_space<vmem>> -> memref<64x64xf32, #tpu.memory_space<vmem>>
    %dma_wait3A_301 = arith.constant 256 : i32
    %dma_wait3A_302 = tpu.memref_slice %arg8[%dma_wait3A_301] : memref<512xi32, #tpu.memory_space<vmem>> -> memref<64xi32, #tpu.memory_space<vmem>>
    %dma_wait3A_303 = arith.constant 0 : i32
    %dma_wait3A_304 = arith.constant 0 : i32
    %dma_wait3A_305 = tpu.memref_slice %arg5[%dma_wait3A_303, %dma_wait3A_304] : memref<1000000x64xf32, #tpu.memory_space<hbm>> -> memref<1000000x64xf32, #tpu.memory_space<hbm>>
    tpu.wait_indirect_dma semaphore(%arg19 : memref<!tpu.dma_semaphore, #tpu.memory_space<semaphore_mem>>) src(%dma_wait3A_305 : memref<1000000x64xf32, #tpu.memory_space<hbm>>) dst(%dma_wait3A_300 : memref<64x64xf32, #tpu.memory_space<vmem>>)
    %dma_wait3A_306 = arith.constant 0 : i32
    %dma_wait3A_307 = arith.constant 0 : i32
    %dma_wait3A_308 = tpu.memref_slice %arg15[%dma_wait3A_306, %dma_wait3A_307] : memref<256x64xf32, #tpu.memory_space<vmem>> -> memref<64x64xf32, #tpu.memory_space<vmem>>
    %dma_wait3A_309 = arith.constant 256 : i32
    %dma_wait3A_310 = tpu.memref_slice %arg9[%dma_wait3A_309] : memref<512xi32, #tpu.memory_space<vmem>> -> memref<64xi32, #tpu.memory_space<vmem>>
    %dma_wait3A_311 = arith.constant 0 : i32
    %dma_wait3A_312 = arith.constant 0 : i32
    %dma_wait3A_313 = tpu.memref_slice %arg5[%dma_wait3A_311, %dma_wait3A_312] : memref<1000000x64xf32, #tpu.memory_space<hbm>> -> memref<1000000x64xf32, #tpu.memory_space<hbm>>
    tpu.wait_indirect_dma semaphore(%arg19 : memref<!tpu.dma_semaphore, #tpu.memory_space<semaphore_mem>>) src(%dma_wait3A_313 : memref<1000000x64xf32, #tpu.memory_space<hbm>>) dst(%dma_wait3A_308 : memref<64x64xf32, #tpu.memory_space<vmem>>)
    %dma_wait3A_314 = arith.constant 0 : i32
    %dma_wait3A_315 = arith.constant 0 : i32
    %dma_wait3A_316 = tpu.memref_slice %arg16[%dma_wait3A_314, %dma_wait3A_315] : memref<256x64xf32, #tpu.memory_space<vmem>> -> memref<64x64xf32, #tpu.memory_space<vmem>>
    %dma_wait3A_317 = arith.constant 256 : i32
    %dma_wait3A_318 = tpu.memref_slice %arg10[%dma_wait3A_317] : memref<512xi32, #tpu.memory_space<vmem>> -> memref<64xi32, #tpu.memory_space<vmem>>
    %dma_wait3A_319 = arith.constant 0 : i32
    %dma_wait3A_320 = arith.constant 0 : i32
    %dma_wait3A_321 = tpu.memref_slice %arg6[%dma_wait3A_319, %dma_wait3A_320] : memref<1000x64xf32, #tpu.memory_space<hbm>> -> memref<1000x64xf32, #tpu.memory_space<hbm>>
    tpu.wait_indirect_dma semaphore(%arg19 : memref<!tpu.dma_semaphore, #tpu.memory_space<semaphore_mem>>) src(%dma_wait3A_321 : memref<1000x64xf32, #tpu.memory_space<hbm>>) dst(%dma_wait3A_316 : memref<64x64xf32, #tpu.memory_space<vmem>>)
    %dma_wait3A_322 = arith.constant 64 : i32
    %dma_wait3A_323 = arith.constant 0 : i32
    %dma_wait3A_324 = tpu.memref_slice %arg14[%dma_wait3A_322, %dma_wait3A_323] : memref<256x64xf32, #tpu.memory_space<vmem>> -> memref<64x64xf32, #tpu.memory_space<vmem>>
    %dma_wait3A_325 = arith.constant 320 : i32
    %dma_wait3A_326 = tpu.memref_slice %arg8[%dma_wait3A_325] : memref<512xi32, #tpu.memory_space<vmem>> -> memref<64xi32, #tpu.memory_space<vmem>>
    %dma_wait3A_327 = arith.constant 0 : i32
    %dma_wait3A_328 = arith.constant 0 : i32
    %dma_wait3A_329 = tpu.memref_slice %arg5[%dma_wait3A_327, %dma_wait3A_328] : memref<1000000x64xf32, #tpu.memory_space<hbm>> -> memref<1000000x64xf32, #tpu.memory_space<hbm>>
    tpu.wait_indirect_dma semaphore(%arg19 : memref<!tpu.dma_semaphore, #tpu.memory_space<semaphore_mem>>) src(%dma_wait3A_329 : memref<1000000x64xf32, #tpu.memory_space<hbm>>) dst(%dma_wait3A_324 : memref<64x64xf32, #tpu.memory_space<vmem>>)
    %dma_wait3A_330 = arith.constant 64 : i32
    %dma_wait3A_331 = arith.constant 0 : i32
    %dma_wait3A_332 = tpu.memref_slice %arg15[%dma_wait3A_330, %dma_wait3A_331] : memref<256x64xf32, #tpu.memory_space<vmem>> -> memref<64x64xf32, #tpu.memory_space<vmem>>
    %dma_wait3A_333 = arith.constant 320 : i32
    %dma_wait3A_334 = tpu.memref_slice %arg9[%dma_wait3A_333] : memref<512xi32, #tpu.memory_space<vmem>> -> memref<64xi32, #tpu.memory_space<vmem>>
    %dma_wait3A_335 = arith.constant 0 : i32
    %dma_wait3A_336 = arith.constant 0 : i32
    %dma_wait3A_337 = tpu.memref_slice %arg5[%dma_wait3A_335, %dma_wait3A_336] : memref<1000000x64xf32, #tpu.memory_space<hbm>> -> memref<1000000x64xf32, #tpu.memory_space<hbm>>
    tpu.wait_indirect_dma semaphore(%arg19 : memref<!tpu.dma_semaphore, #tpu.memory_space<semaphore_mem>>) src(%dma_wait3A_337 : memref<1000000x64xf32, #tpu.memory_space<hbm>>) dst(%dma_wait3A_332 : memref<64x64xf32, #tpu.memory_space<vmem>>)
    %dma_wait3A_338 = arith.constant 64 : i32
    %dma_wait3A_339 = arith.constant 0 : i32
    %dma_wait3A_340 = tpu.memref_slice %arg16[%dma_wait3A_338, %dma_wait3A_339] : memref<256x64xf32, #tpu.memory_space<vmem>> -> memref<64x64xf32, #tpu.memory_space<vmem>>
    %dma_wait3A_341 = arith.constant 320 : i32
    %dma_wait3A_342 = tpu.memref_slice %arg10[%dma_wait3A_341] : memref<512xi32, #tpu.memory_space<vmem>> -> memref<64xi32, #tpu.memory_space<vmem>>
    %dma_wait3A_343 = arith.constant 0 : i32
    %dma_wait3A_344 = arith.constant 0 : i32
    %dma_wait3A_345 = tpu.memref_slice %arg6[%dma_wait3A_343, %dma_wait3A_344] : memref<1000x64xf32, #tpu.memory_space<hbm>> -> memref<1000x64xf32, #tpu.memory_space<hbm>>
    tpu.wait_indirect_dma semaphore(%arg19 : memref<!tpu.dma_semaphore, #tpu.memory_space<semaphore_mem>>) src(%dma_wait3A_345 : memref<1000x64xf32, #tpu.memory_space<hbm>>) dst(%dma_wait3A_340 : memref<64x64xf32, #tpu.memory_space<vmem>>)
    %dma_wait3A_346 = arith.constant 128 : i32
    %dma_wait3A_347 = arith.constant 0 : i32
    %dma_wait3A_348 = tpu.memref_slice %arg14[%dma_wait3A_346, %dma_wait3A_347] : memref<256x64xf32, #tpu.memory_space<vmem>> -> memref<64x64xf32, #tpu.memory_space<vmem>>
    %dma_wait3A_349 = arith.constant 384 : i32
    %dma_wait3A_350 = tpu.memref_slice %arg8[%dma_wait3A_349] : memref<512xi32, #tpu.memory_space<vmem>> -> memref<64xi32, #tpu.memory_space<vmem>>
    %dma_wait3A_351 = arith.constant 0 : i32
    %dma_wait3A_352 = arith.constant 0 : i32
    %dma_wait3A_353 = tpu.memref_slice %arg5[%dma_wait3A_351, %dma_wait3A_352] : memref<1000000x64xf32, #tpu.memory_space<hbm>> -> memref<1000000x64xf32, #tpu.memory_space<hbm>>
    tpu.wait_indirect_dma semaphore(%arg19 : memref<!tpu.dma_semaphore, #tpu.memory_space<semaphore_mem>>) src(%dma_wait3A_353 : memref<1000000x64xf32, #tpu.memory_space<hbm>>) dst(%dma_wait3A_348 : memref<64x64xf32, #tpu.memory_space<vmem>>)
    %dma_wait3A_354 = arith.constant 128 : i32
    %dma_wait3A_355 = arith.constant 0 : i32
    %dma_wait3A_356 = tpu.memref_slice %arg15[%dma_wait3A_354, %dma_wait3A_355] : memref<256x64xf32, #tpu.memory_space<vmem>> -> memref<64x64xf32, #tpu.memory_space<vmem>>
    %dma_wait3A_357 = arith.constant 384 : i32
    %dma_wait3A_358 = tpu.memref_slice %arg9[%dma_wait3A_357] : memref<512xi32, #tpu.memory_space<vmem>> -> memref<64xi32, #tpu.memory_space<vmem>>
    %dma_wait3A_359 = arith.constant 0 : i32
    %dma_wait3A_360 = arith.constant 0 : i32
    %dma_wait3A_361 = tpu.memref_slice %arg5[%dma_wait3A_359, %dma_wait3A_360] : memref<1000000x64xf32, #tpu.memory_space<hbm>> -> memref<1000000x64xf32, #tpu.memory_space<hbm>>
    tpu.wait_indirect_dma semaphore(%arg19 : memref<!tpu.dma_semaphore, #tpu.memory_space<semaphore_mem>>) src(%dma_wait3A_361 : memref<1000000x64xf32, #tpu.memory_space<hbm>>) dst(%dma_wait3A_356 : memref<64x64xf32, #tpu.memory_space<vmem>>)
    %dma_wait3A_362 = arith.constant 128 : i32
    %dma_wait3A_363 = arith.constant 0 : i32
    %dma_wait3A_364 = tpu.memref_slice %arg16[%dma_wait3A_362, %dma_wait3A_363] : memref<256x64xf32, #tpu.memory_space<vmem>> -> memref<64x64xf32, #tpu.memory_space<vmem>>
    %dma_wait3A_365 = arith.constant 384 : i32
    %dma_wait3A_366 = tpu.memref_slice %arg10[%dma_wait3A_365] : memref<512xi32, #tpu.memory_space<vmem>> -> memref<64xi32, #tpu.memory_space<vmem>>
    %dma_wait3A_367 = arith.constant 0 : i32
    %dma_wait3A_368 = arith.constant 0 : i32
    %dma_wait3A_369 = tpu.memref_slice %arg6[%dma_wait3A_367, %dma_wait3A_368] : memref<1000x64xf32, #tpu.memory_space<hbm>> -> memref<1000x64xf32, #tpu.memory_space<hbm>>
    tpu.wait_indirect_dma semaphore(%arg19 : memref<!tpu.dma_semaphore, #tpu.memory_space<semaphore_mem>>) src(%dma_wait3A_369 : memref<1000x64xf32, #tpu.memory_space<hbm>>) dst(%dma_wait3A_364 : memref<64x64xf32, #tpu.memory_space<vmem>>)
    %dma_wait3A_370 = arith.constant 192 : i32
    %dma_wait3A_371 = arith.constant 0 : i32
    %dma_wait3A_372 = tpu.memref_slice %arg14[%dma_wait3A_370, %dma_wait3A_371] : memref<256x64xf32, #tpu.memory_space<vmem>> -> memref<64x64xf32, #tpu.memory_space<vmem>>
    %dma_wait3A_373 = arith.constant 448 : i32
    %dma_wait3A_374 = tpu.memref_slice %arg8[%dma_wait3A_373] : memref<512xi32, #tpu.memory_space<vmem>> -> memref<64xi32, #tpu.memory_space<vmem>>
    %dma_wait3A_375 = arith.constant 0 : i32
    %dma_wait3A_376 = arith.constant 0 : i32
    %dma_wait3A_377 = tpu.memref_slice %arg5[%dma_wait3A_375, %dma_wait3A_376] : memref<1000000x64xf32, #tpu.memory_space<hbm>> -> memref<1000000x64xf32, #tpu.memory_space<hbm>>
    tpu.wait_indirect_dma semaphore(%arg19 : memref<!tpu.dma_semaphore, #tpu.memory_space<semaphore_mem>>) src(%dma_wait3A_377 : memref<1000000x64xf32, #tpu.memory_space<hbm>>) dst(%dma_wait3A_372 : memref<64x64xf32, #tpu.memory_space<vmem>>)
    %dma_wait3A_378 = arith.constant 192 : i32
    %dma_wait3A_379 = arith.constant 0 : i32
    %dma_wait3A_380 = tpu.memref_slice %arg15[%dma_wait3A_378, %dma_wait3A_379] : memref<256x64xf32, #tpu.memory_space<vmem>> -> memref<64x64xf32, #tpu.memory_space<vmem>>
    %dma_wait3A_381 = arith.constant 448 : i32
    %dma_wait3A_382 = tpu.memref_slice %arg9[%dma_wait3A_381] : memref<512xi32, #tpu.memory_space<vmem>> -> memref<64xi32, #tpu.memory_space<vmem>>
    %dma_wait3A_383 = arith.constant 0 : i32
    %dma_wait3A_384 = arith.constant 0 : i32
    %dma_wait3A_385 = tpu.memref_slice %arg5[%dma_wait3A_383, %dma_wait3A_384] : memref<1000000x64xf32, #tpu.memory_space<hbm>> -> memref<1000000x64xf32, #tpu.memory_space<hbm>>
    tpu.wait_indirect_dma semaphore(%arg19 : memref<!tpu.dma_semaphore, #tpu.memory_space<semaphore_mem>>) src(%dma_wait3A_385 : memref<1000000x64xf32, #tpu.memory_space<hbm>>) dst(%dma_wait3A_380 : memref<64x64xf32, #tpu.memory_space<vmem>>)
    %dma_wait3A_386 = arith.constant 192 : i32
    %dma_wait3A_387 = arith.constant 0 : i32
    %dma_wait3A_388 = tpu.memref_slice %arg16[%dma_wait3A_386, %dma_wait3A_387] : memref<256x64xf32, #tpu.memory_space<vmem>> -> memref<64x64xf32, #tpu.memory_space<vmem>>
    %dma_wait3A_389 = arith.constant 448 : i32
    %dma_wait3A_390 = tpu.memref_slice %arg10[%dma_wait3A_389] : memref<512xi32, #tpu.memory_space<vmem>> -> memref<64xi32, #tpu.memory_space<vmem>>
    %dma_wait3A_391 = arith.constant 0 : i32
    %dma_wait3A_392 = arith.constant 0 : i32
    %dma_wait3A_393 = tpu.memref_slice %arg6[%dma_wait3A_391, %dma_wait3A_392] : memref<1000x64xf32, #tpu.memory_space<hbm>> -> memref<1000x64xf32, #tpu.memory_space<hbm>>
    tpu.wait_indirect_dma semaphore(%arg19 : memref<!tpu.dma_semaphore, #tpu.memory_space<semaphore_mem>>) src(%dma_wait3A_393 : memref<1000x64xf32, #tpu.memory_space<hbm>>) dst(%dma_wait3A_388 : memref<64x64xf32, #tpu.memory_space<vmem>>)
    %scan3A_394 = arith.constant 0 : i32
    %scan3A_395 = arith.constant 0 : i32
    %scan3A_396 = arith.constant 256 : i32
    %scan3A_397 = arith.addi %scan3A_395, %scan3A_396 : i32
    %scan3A_398 = arith.constant 1 : i32
    %scan3A_399 = scf.for %scan3A_401 = %scan3A_395 to %scan3A_397 step %scan3A_398 iter_args(%scan3A_402 = %scan3A_394) -> (i32)  : i32 {
      %broadcast_in_dim3A_403 = arith.constant 0.000000e+00 : f32
      %broadcast_in_dim3A_404 = vector.broadcast %broadcast_in_dim3A_403 : f32 to vector<16xf32>
      %get3A = arith.index_cast %scan3A_401 : i32 to index
      %get3A_405 = arith.constant 0 : index
      %get3A_406 = tpu.vector_load %arg14[%get3A, %get3A_405] {strides = array<i32>} : memref<256x64xf32, #tpu.memory_space<vmem>>, vector<16xf32>,
      %get3A_407 = arith.index_cast %scan3A_401 : i32 to index
      %get3A_408 = arith.constant 0 : index
      %get3A_409 = tpu.vector_load %arg15[%get3A_407, %get3A_408] {strides = array<i32>} : memref<256x64xf32, #tpu.memory_space<vmem>>, vector<16xf32>,
      %get3A_410 = arith.index_cast %scan3A_401 : i32 to index
      %get3A_411 = arith.constant 0 : index
      %get3A_412 = tpu.vector_load %arg16[%get3A_410, %get3A_411] {strides = array<i32>} : memref<256x64xf32, #tpu.memory_space<vmem>>, vector<16xf32>,
      %add3A_413 = arith.addf %get3A_406, %get3A_412 : vector<16xf32>
      %sub3A = arith.subf %add3A_413, %get3A_409 : vector<16xf32>
      %abs3A = math.absf %sub3A : vector<16xf32>
      %add3A_414 = arith.addf %broadcast_in_dim3A_404, %abs3A : vector<16xf32>
      %get3A_415 = arith.index_cast %scan3A_401 : i32 to index
      %get3A_416 = arith.constant 16 : index
      %get3A_417 = tpu.vector_load %arg14[%get3A_415, %get3A_416] {strides = array<i32>} : memref<256x64xf32, #tpu.memory_space<vmem>>, vector<16xf32>,
      %get3A_418 = arith.index_cast %scan3A_401 : i32 to index
      %get3A_419 = arith.constant 16 : index
      %get3A_420 = tpu.vector_load %arg15[%get3A_418, %get3A_419] {strides = array<i32>} : memref<256x64xf32, #tpu.memory_space<vmem>>, vector<16xf32>,
      %get3A_421 = arith.index_cast %scan3A_401 : i32 to index
      %get3A_422 = arith.constant 16 : index
      %get3A_423 = tpu.vector_load %arg16[%get3A_421, %get3A_422] {strides = array<i32>} : memref<256x64xf32, #tpu.memory_space<vmem>>, vector<16xf32>,
      %add3A_424 = arith.addf %get3A_417, %get3A_423 : vector<16xf32>
      %sub3A_425 = arith.subf %add3A_424, %get3A_420 : vector<16xf32>
      %abs3A_426 = math.absf %sub3A_425 : vector<16xf32>
      %add3A_427 = arith.addf %add3A_414, %abs3A_426 : vector<16xf32>
      %get3A_428 = arith.index_cast %scan3A_401 : i32 to index
      %get3A_429 = arith.constant 32 : index
      %get3A_430 = tpu.vector_load %arg14[%get3A_428, %get3A_429] {strides = array<i32>} : memref<256x64xf32, #tpu.memory_space<vmem>>, vector<16xf32>,
      %get3A_431 = arith.index_cast %scan3A_401 : i32 to index
      %get3A_432 = arith.constant 32 : index
      %get3A_433 = tpu.vector_load %arg15[%get3A_431, %get3A_432] {strides = array<i32>} : memref<256x64xf32, #tpu.memory_space<vmem>>, vector<16xf32>,
      %get3A_434 = arith.index_cast %scan3A_401 : i32 to index
      %get3A_435 = arith.constant 32 : index
      %get3A_436 = tpu.vector_load %arg16[%get3A_434, %get3A_435] {strides = array<i32>} : memref<256x64xf32, #tpu.memory_space<vmem>>, vector<16xf32>,
      %add3A_437 = arith.addf %get3A_430, %get3A_436 : vector<16xf32>
      %sub3A_438 = arith.subf %add3A_437, %get3A_433 : vector<16xf32>
      %abs3A_439 = math.absf %sub3A_438 : vector<16xf32>
      %add3A_440 = arith.addf %add3A_427, %abs3A_439 : vector<16xf32>
      %get3A_441 = arith.index_cast %scan3A_401 : i32 to index
      %get3A_442 = arith.constant 48 : index
      %get3A_443 = tpu.vector_load %arg14[%get3A_441, %get3A_442] {strides = array<i32>} : memref<256x64xf32, #tpu.memory_space<vmem>>, vector<16xf32>,
      %get3A_444 = arith.index_cast %scan3A_401 : i32 to index
      %get3A_445 = arith.constant 48 : index
      %get3A_446 = tpu.vector_load %arg15[%get3A_444, %get3A_445] {strides = array<i32>} : memref<256x64xf32, #tpu.memory_space<vmem>>, vector<16xf32>,
      %get3A_447 = arith.index_cast %scan3A_401 : i32 to index
      %get3A_448 = arith.constant 48 : index
      %get3A_449 = tpu.vector_load %arg16[%get3A_447, %get3A_448] {strides = array<i32>} : memref<256x64xf32, #tpu.memory_space<vmem>>, vector<16xf32>,
      %add3A_450 = arith.addf %get3A_443, %get3A_449 : vector<16xf32>
      %sub3A_451 = arith.subf %add3A_450, %get3A_446 : vector<16xf32>
      %abs3A_452 = math.absf %sub3A_451 : vector<16xf32>
      %add3A_453 = arith.addf %add3A_440, %abs3A_452 : vector<16xf32>
      %broadcast_in_dim3A_454 = arith.constant true
      %broadcast_in_dim3A_455 = vector.broadcast %broadcast_in_dim3A_454 : i1 to vector<16xi1>
      %masked_cumsum3A = tpu.scan <sum>, %add3A_453 masked %broadcast_in_dim3A_455 : vector<16xf32>, vector<16xi1> -> vector<16xf32>
      %add3A_456 = arith.constant 256 : i32
      %add3A_457 = arith.addi %add3A_456, %scan3A_401 : i32
      %add3A_458 = vector.broadcast %add3A_457 : i32 to vector<16xi32>
      %add3A_459 = arith.addi %broadcast_in_dim3A_5, %add3A_458 : vector<16xi32>
      %neg3A = arith.constant 0.000000e+00 : f32
      %neg3A_460 = vector.broadcast %neg3A : f32 to vector<16xf32>
      %neg3A_461 = arith.subf %neg3A_460, %masked_cumsum3A : vector<16xf32>
      tpu.vector_store_idx %arg17[%add3A_459], %neg3A_461 masked %eq3A_4 : memref<512xf32, #tpu.memory_space<vmem>>[vector<16xi32>], vector<16xf32>, vector<16xi1>
      %scan3A_462 = arith.constant 0 : i32
      scf.yield %scan3A_462 : i32
    }
    %scan3A_400 = arith.constant 256 : i32
    "tpu.region"() ({
      %run_scoped3A = tpu.sem_alloc : memref<!tpu.dma_semaphore, #tpu.memory_space<semaphore_mem>>
      %dma_start3A_401 = tpu.memref_slice %arg7[%mul3A_2] : memref<16384xf32, #tpu.memory_space<hbm>> -> memref<512xf32, #tpu.memory_space<hbm>>
      %dma_start3A_402 = tpu.memref_slice %arg7[%mul3A_2] : memref<16384xf32, #tpu.memory_space<hbm>> -> memref<512xf32, #tpu.memory_space<hbm>>
      tpu.enqueue_dma source(%arg17 : memref<512xf32, #tpu.memory_space<vmem>>) target(%dma_start3A_402 : memref<512xf32, #tpu.memory_space<hbm>>) target_semaphore(%run_scoped3A : memref<!tpu.dma_semaphore, #tpu.memory_space<semaphore_mem>>)
      %dma_wait3A_403 = tpu.memref_slice %arg7[%mul3A_2] : memref<16384xf32, #tpu.memory_space<hbm>> -> memref<512xf32, #tpu.memory_space<hbm>>
      %dma_wait3A_404 = tpu.memref_slice %arg7[%mul3A_2] : memref<16384xf32, #tpu.memory_space<hbm>> -> memref<512xf32, #tpu.memory_space<hbm>>
      tpu.wait_dma2 semaphore(%run_scoped3A : memref<!tpu.dma_semaphore, #tpu.memory_space<semaphore_mem>>) src(%arg17 : memref<512xf32, #tpu.memory_space<vmem>>) dst(%dma_wait3A_404 : memref<512xf32, #tpu.memory_space<hbm>>)
      tpu.yield
    }) : () -> ()
    return
  }
}

</mosaic_0001>

<sc_bundles>
// kernel: kernel.3.cloned.1.call-start
scs
__scs_entry_jumppad:
0x0: {  	(pc) =	sbr.rel $0x88, $3  }
0x1: {  	(tag) =	ssettag $0x0;
	lr =	simm.s32 $0x1  }
0x2: {  	[smem:$0x3F9C] =	sst lr;
	_ =	strace $0xD0000000  }
0x3: {  	_ = 	snop  }
0x4: {  	_ = 	snop  }
0x5: {  	_ = 	snop  }
0x6: {  	_ = 	snop  }
0x7: {  	_ = 	snop  }
__scs_overlays_trampoline_lowered:
0x8: {  	[smem:$0x3FAB] =	sst s0  }
0x9: {  	[smem:$0x3FAC] =	sst s1  }
0xa: {  	[smem:$0x3FAD] =	sst s2  }
0xb: {  	[smem:$0x3FAE] =	sst s3  }
0xc: {  	[smem:$0x3FAF] =	sst s4  }
0xd: {  	[smem:$0x3FB0] =	sst s5  }
0xe: {  	[smem:$0x3FB1] =	sst s6  }
0xf: {  	[smem:$0x3FB2] =	sst s7  }
0x10: {  	[smem:$0x3FB3] =	sst s8  }
0x11: {  	[smem:$0x3FB4] =	sst s9;
	s0 =	simm.s32 @!p0 $0x0  }
0x12: {  	s1 =	sld [smem:$0x3F9A];
	s0 =	simm.s32 @p0 $0x1  }
0x13: {  	[smem:$0x3FB5] =	sst s0;
	s0 =	simm.s32 @!p1 $0x0  }
0x14: {  	s2 =	sld [smem:$0x3F99];
	s0 =	simm.s32 @p1 $0x1  }
0x15: {  	[smem:$0x3FB6] =	sst s0;
	s0 =	simm.s32 @!p2 $0x0  }
0x16: {  	s3 =	sld [smem:$0x3FDB];
	s0 =	simm.s32 @p2 $0x1  }
0x17: {  	s4 =	simm.s32 $0x1BF5;
	[smem:$0x3FB8] =	sst s0  }
0x18: {  	s0 =	sld [smem:$0x3F9B];
	_ =	swait.ge [sflag:s4], $0x0  }
0x19: {  	s7 =	sld [smem:$0x3F9C]  }
0x1a: {  	s8 =	sadd.s32 $0xFFFFE003, lr  }
0x1b: {  	s9 =	sadd.s32 $0xFFFFFEF7, lr;
	s5 =	simm.s32 $0xFFFFFFFF;
	p2 =	slt.u32 s8, $0xFFFFF086  }
0x1c: {  	p1 =	slt.u32 s9, $0xF7A;
	s5 =	simm.s32 @!p2 $0x0  }
0x1d: {  	s5 =	simm.s32 @p1 $0x1;
	p0 =	seq.s32 s7, s2  }
0x1e: {  	s7 =	smul.u32 @!p0 $0xF7A, s2;
	p2 =	seq.s32 @!p0 s5, $0x0  }
0x1f: {  	s9 =	smul.u32 $0xF7A, s1;
	s8 =	simm.s32 @!p0 $0x1BF5;
	p2 =	por !p2, p0  }
0x20: {  	[sflag:s8] =	ssyncset.s32 @!p0 $0xFFFFF086;
	s6 =	sadd.s32 @!p0 s3, s7;
	s7 =	simm.s32 @!p0 $0x108  }
0x21: {  	s3 =	sadd.s32 s3, s9;
	s6 =	sadd.s32 @!p0 $0x88, s6;
	s7 =	simm.s32 @p2 $0x1082  }
0x22: {  	[simem:s7], [sflag:s8] =	dma.local @!p0 [hbm:s6], $0xF7A  }
0x23: {  	s9 =	sor.u32 $0xD0000000, s2;
	s6 =	simm.s32 $0x108;
	_ =	swait.ge @!p0 [sflag:s8], $0x0  }
0x24: {  	s3 =	sadd.s32 $0x88, s3;
	s6 =	simm.s32 @!p1 $0x1082;
	[sflag:s4] =	ssyncset.s32 $0xFFFFF086  }
0x25: {  	[simem:s6], [sflag:s4] =	dma.local [hbm:s3], $0xF7A  }
0x26: {  	[smem:$0x3F9C] =	sst s1;
	(tag) =	ssettag s2;
	_ =	strace s9  }
0x27: {  	s1 =	sld [smem:$0x3FAC]  }
0x28: {  	s2 =	sld [smem:$0x3FAD]  }
0x29: {  	s4 =	sld [smem:$0x3FAF]  }
0x2a: {  	p0 =	seq.s32 s5, $0x0;
	s5 =	sld [smem:$0x3FB0]  }
0x2b: {  	s6 =	sld [smem:$0x3FB1]  }
0x2c: {  	s7 =	sld [smem:$0x3FB2]  }
0x2d: {  	s3 =	simm.s32 $0x108;
	s8 =	sld [smem:$0x3FB3]  }
0x2e: {  	s3 =	simm.s32 @!p0 $0x1082;
	s9 =	sld [smem:$0x3FB4]  }
0x2f: {  	lr =	sadd.s32 s0, s3;
	s0 =	sld [smem:$0x3FAB]  }
0x30: {  	s3 =	sld [smem:$0x3FAE]  }
0x31: {  	[smem:$0x3FB7] =	sst s10  }
0x32: {  	s10 =	sld [smem:$0x3FB5];
	_ =	sdelay $0x3  }
0x33: {  	p0 =	seq.s32 s10, $0x1;
	s10 =	sld [smem:$0x3FB7];
	_ =	sdelay $0x3  }
0x34: {  	[smem:$0x3FB7] =	sst s10  }
0x35: {  	s10 =	sld [smem:$0x3FB6];
	_ =	sdelay $0x3  }
0x36: {  	p1 =	seq.s32 s10, $0x1;
	s10 =	sld [smem:$0x3FB7];
	_ =	sdelay $0x3  }
0x37: {  	[smem:$0x3FB7] =	sst s10  }
0x38: {  	s10 =	sld [smem:$0x3FB8]  }
0x39: {  	_ = 	snop;
	(pc) =	sbr.ind lr, $3  }
0x3a: {  	_ = 	snop  }
0x3b: {  	_ = 	snop  }
0x3c: {  	p2 =	seq.s32 s10, $0x1;
	s10 =	sld [smem:$0x3FB7]  }
0x3d: {  	_ =	shalt  }
0x3e: {  	_ =	shalt  }
0x3f: {  	_ =	shalt  }
0x40: {  	_ =	shalt  }
0x41: {  	_ =	shalt  }
0x42: {  	_ =	shalt  }
0x43: {  	_ =	shalt  }
0x44: {  	_ =	shalt  }
0x45: {  	_ =	shalt  }
0x46: {  	_ =	shalt  }
0x47: {  	_ =	shalt  }
0x48: {  	_ =	shalt  }
0x49: {  	_ =	shalt  }
0x4a: {  	_ =	shalt  }
0x4b: {  	_ =	shalt  }
0x4c: {  	_ =	shalt  }
0x4d: {  	_ =	shalt  }
0x4e: {  	_ =	shalt  }
0x4f: {  	_ =	shalt  }
0x50: {  	_ =	shalt  }
0x51: {  	_ =	shalt  }
0x52: {  	_ =	shalt  }
0x53: {  	_ =	shalt  }
0x54: {  	_ =	shalt  }
0x55: {  	_ =	shalt  }
0x56: {  	_ =	shalt  }
0x57: {  	_ =	shalt  }
0x58: {  	_ =	shalt  }
0x59: {  	_ =	shalt  }
0x5a: {  	_ =	shalt  }
0x5b: {  	_ =	shalt  }
0x5c: {  	_ =	shalt  }
0x5d: {  	_ =	shalt  }
0x5e: {  	_ =	shalt  }
0x5f: {  	_ =	shalt  }
0x60: {  	_ =	shalt  }
0x61: {  	_ =	shalt  }
0x62: {  	_ =	shalt  }
0x63: {  	_ =	shalt  }
0x64: {  	_ =	shalt  }
0x65: {  	_ =	shalt  }
0x66: {  	_ =	shalt  }
0x67: {  	_ =	shalt  }
0x68: {  	_ =	shalt  }
0x69: {  	_ =	shalt  }
0x6a: {  	_ =	shalt  }
0x6b: {  	_ =	shalt  }
0x6c: {  	_ =	shalt  }
0x6d: {  	_ =	shalt  }
0x6e: {  	_ =	shalt  }
0x6f: {  	_ =	shalt  }
0x70: {  	_ =	shalt  }
0x71: {  	_ =	shalt  }
0x72: {  	_ =	shalt  }
0x73: {  	_ =	shalt  }
0x74: {  	_ =	shalt  }
0x75: {  	_ =	shalt  }
0x76: {  	_ =	shalt  }
0x77: {  	_ =	shalt  }
0x78: {  	_ =	shalt  }
0x79: {  	_ =	shalt  }
0x7a: {  	_ =	shalt  }
0x7b: {  	_ =	shalt  }
0x7c: {  	_ =	shalt  }
0x7d: {  	_ =	shalt  }
0x7e: {  	_ =	shalt  }
0x7f: {  	_ =	shalt  }
0x80: {  	_ =	shalt  }
0x81: {  	_ =	shalt  }
0x82: {  	_ =	shalt  }
0x83: {  	_ =	shalt  }
0x84: {  	_ =	shalt  }
0x85: {  	_ =	shalt  }
0x86: {  	_ =	shalt  }
0x87: {  	_ =	shalt  }
.Lfunc_end0:
.L_simem_size_0:
called_computation_lowered:
.L_overlay_start_0:
0x88: {  	s2 =	sld [smem:$0x3FD9]  }
0x89: {  	s3 =	sld [smem:$0x3FFE];
	_ =	sdelay $0x1  }
0x8a: {  	s1 =	srdreg.scid  }
0x8b: {  	s0 =	sand.u32 $0x1, s1  }
0x8c: {  	s17 =	sshll.u32 s0, $0xA;
	s2 =	sadd.s32 s3, s2  }
0x8d: {  	s2 =	sadd.s32 s2, s17  }
0x8e: {  	[smem:$0x3FC3] =	sst s2  }
0x8f: {  	_ = 	snop  }
0x90: {  	s2 =	sld [smem:$0x3FC9]  }
0x91: {  	s18 =	sld [smem:$0x3FC8]  }
0x92: {  	s4 =	sld [smem:$0x3FC7]  }
0x93: {  	s5 =	sld [smem:$0x3FD0];
	(tm) =	ssettm $0x1  }
0x94: {  	s6 =	sld [smem:$0x3FFB];
	_ =	sdelay $0x3  }
0x95: {  	_ =	strace s6  }
0x96: {  	s6 =	sld [smem:$0x3FFC];
	_ =	sdelay $0x3  }
0x97: {  	_ =	strace s6  }
0x98: {  	s6 =	sld [smem:$0x3FFD];
	_ =	sdelay $0x3  }
0x99: {  	_ =	strace s6  }
0x9a: {  	_ =	strace $0x8FFFFFFF  }
0x9b: {  	s19 =	sld [smem:$0x3FDB];
	_ =	sdelay $0x1  }
0x9c: {  	s7 =	simm.s32 $_scs_section_size  }
0x9d: {  	s8 =	simm.s32 $_size__tile_overlayer_lowered;
	s9 =	simm.s32 $_tile_overlayer_lowered  }
0x9e: {  	s22 =	simm.s32 $0x1BFF;
	s21 =	sshll.u32 s9, $0x1;
	s6 =	sadd.s32 s7, s19  }
0x9f: {  	s10 =	simm.s32 $0x0;
	s20 =	sshll.u32 s8, $0x1;
	s8 =	sadd.s32 s21, s6  }
0xa0: {  	[timem:s10], [sflag:s22] =	dma.local [hbm:s8], s20  }
0xa1: {  	_ =	swait.ge [sflag:s22], s20  }
0xa2: {  	s7 =	ssub.s32 $0x0, s20;
	[sflag:s22] =	ssyncset.done $0x0  }
0xa3: {  	[sflag:s22] =	ssyncadd.s32 s7;
	_ =	sdelay $0x1  }
0xa4: {  	s23 =	simm.s32 $0x1B8B  }
0xa5: {  	_ =	swait.ge [sflag:s23], $0x1  }
0xa6: {  	[sflag:s23] =	ssyncset.done $0x0  }
0xa7: {  	s25 =	simm.s32 $0x1B8E;
	s24 =	sld [smem:$0x3FFE];
	[sflag:s23] =	ssyncadd.s32 $0xFFFFFFFF  }
0xa8: {  	s26 =	simm.s32 $execute0_lowered;
	[smem:$0x3FD2] =	sst s25  }
0xa9: {  	s8 =	sshll.u32 s26, $0x1;
	_ =	strace $0x80000046;
	[dreg:$0x1] =	wrdreg $0xFFFFFFFF  }
0xaa: {  	s28 =	simm.s32 $_size_execute0_lowered;
	s6 =	sadd.s32 s6, s8;
	[dreg:$0x0] =	wrdreg $0x0  }
0xab: {  	s8 =	sshll.u32 s28, $0x1;
	[dreg:$0x2] =	wrdreg s6  }
0xac: {  	[dreg:$0x3] =	wrdreg s8  }
0xad: {  	[dreg:$0x4] =	wrdreg $0xC0  }
0xae: {  	_ =	task [dreg:s10], $0x5FFFF  }
0xaf: {  	[dreg:$0x1] =	wrdreg $0xFFFFFFFF  }
0xb0: {  	[dreg:$0x0] =	wrdreg $0x60  }
0xb1: {  	[dreg:$0x2] =	wrdreg s2  }
0xb2: {  	[dreg:$0x3] =	wrdreg s18  }
0xb3: {  	[dreg:$0x4] =	wrdreg s4  }
0xb4: {  	[dreg:$0x5] =	wrdreg s24  }
0xb5: {  	[dreg:$0x6] =	wrdreg s5  }
0xb6: {  	[dreg:$0x7] =	wrdreg $0x9  }
0xb7: {  	_ =	task.clear_ibuf [dreg:s10], $0x8FFFF;
	_ =	strace $0x90000046  }
0xb8: {  	s29 =	simm.s32 $0x9;
	_ =	strace $0x80000048  }
0xb9: {  	_ =	swait.ge [sflag:s29], $0x1  }
0xba: {  	[sflag:s29] =	ssyncadd.s32 $0xFFFFFFFF  }
0xbb: {  	_ =	strace $0x90000048  }
0xbc: {  	_ =	sfence  }
0xbd: {  	s30 =	sld [smem:$0x0];
	_ =	sdelay $0x2  }
0xbe: {  	s31 =	sshll.u32 s1, $0xD;
	s1 =	sshrl.u32 s1, $0x2  }
0xbf: {  	s3 =	sand.u32 $0x4000, s31;
	s1 =	sadd.s32 s1, s30  }
0xc0: {  	s0 =	sor.u32 s3, s0;
	s1 =	sshll.u32 s1, $0x11  }
0xc1: {  	s0 =	sor.u32 s1, s0  }
0xc2: {  	s0 =	sadd.s32 $0x8F2B, s0  }
0xc3: {  	[sflag:s0] =	ssyncadd.remote.s32 $0x1  }
0xc4: {  	_ =	sfence.sel $0xFFFF  }
0xc5: {  	[dreg:$0x0] =	wrdreg $0xFFFFFFFF;
	(pc) =	sbr.abs _section_cstart, $3  }
0xc6: {  	[dreg:$0x1] =	wrdreg $0xFFFFFFFF  }
0xc7: {  	_ =	task.clear_ibuf [dreg:s10], $0x2FFFF;
	_ =	strace $0x9FFFFFFF  }
0xc8: {  	(tm) =	ssettm $0x7FFFFFFF  }
0xc9: {  	_ =	shalt  }
tec
execute0_lowered:
.L_overlay_start_1:
0x0: {  	(tag) =	ssettag $0x1  }
0x1: {  	s0 =	rddreg [dreg:$0x0]  }
0x2: {  	s2 =	rddreg [dreg:$0x1]  }
0x3: {  	s6 =	rddreg [dreg:$0x2]  }
0x4: {  	s4 =	rddreg [dreg:$0x3]  }
0x5: {  	s8 =	rddreg [dreg:$0x4];
	s1 =	simm.s32 $0x0  }
0x6: {  	s3 =	srdreg.scid;
	s10 =	stileid.u32;
	s11 =	simm.s32 $0x200  }
0x7: {  	s12 =	simm.s32 $0x400;
	s13 =	simm.s32 $0x40;
	s30 =	simm.s32 $0x380  }
0x8: {  	s31 =	simm.s32 $0x12600;
	s14 =	simm.s32 $0x1C0;
	s15 =	simm.s32 $0xF600  }
0x9: {  	s16 =	simm.s32 $0x3C0;
	s17 =	simm.s32 $0x13600;
	s18 =	simm.s32 $0x5C0  }
0xa: {  	s19 =	simm.s32 $0x17600;
	s20 =	simm.s32 $0x1;
	s21 =	simm.s32 $0x18600  }
0xb: {  	s22 =	simm.s32 $0x2;
	s23 =	simm.s32 $0x0;
	[smem:$0x7FF] =	sst s1  }
0xc: {  	s5 =	sand.u32 $0x1, s3;
	s3 =	sadd.s32 $0xF42A00, s4;
	s10 =	sshll.u32 s10, $0x7  }
0xd: {  	s4 =	sadd.s32 $0x600, s4;
	s7 =	ssub.s32 $0x2, s5;
	s5 =	sshll.u32 s5, $0x6  }
0xe: {  	_ =	strace $0x80000047;
	s9 =	sshrl.u32 s7, $0x1;
	s10 =	sor.u32 s5, s10  }
0xf: {  	s9 =	ssub.s32 s7, s9;
	s5 =	sadd.s32 s0, s10;
	s6 =	sadd.s32 s6, s10  }
0x10: {  	s7 =	sadd.s32 s2, s10;
	s8 =	sadd.s32 s8, s10;
	s10 =	simm.s32 $0x3  }
0x11: {  	vm0 =	vcmask $0x3F3C;
	s0 =	simm.s32 $0x580;
	s2 =	simm.s32 $0x16600;
	s9 =	smax.u32 s9, $0x1  }
.LBB2_1:
0x12: {  	[tilespmem:s1], [sflag:$0x3] =	stream.linear.gather [hbm4b:s5+s1], $0x200, $0x38;
	[tilespmem:$0x18800] =	vst v63  }
0x13: {  	_ =	swait.ge [sflag:s10], $0x200  }
0x14: {  	[sflag:s10] =	ssyncset.done $0x0  }
0x15: {  	[sflag:s10] =	ssyncadd.s32 $0xFFFFFE00  }
0x16: {  	[tilespmem:s11], [sflag:$0x3] =	stream.linear.gather [hbm4b:s6+s1], $0x200, $0x38;
	[tilespmem:$0x18800] =	vst v63  }
0x17: {  	_ =	swait.ge [sflag:s10], $0x200  }
0x18: {  	[sflag:s10] =	ssyncset.done $0x0  }
0x19: {  	[sflag:s10] =	ssyncadd.s32 $0xFFFFFE00  }
0x1a: {  	[tilespmem:s12], [sflag:$0x3] =	stream.linear.gather [hbm4b:s7+s1], $0x200, $0x38;
	[tilespmem:$0x18800] =	vst v63  }
0x1b: {  	_ =	swait.ge [sflag:s10], $0x200  }
0x1c: {  	[sflag:s10] =	ssyncset.done $0x0  }
0x1d: {  	s24 =	simm.s32 $0x600;
	[sflag:s10] =	ssyncadd.s32 $0xFFFFFE00  }
0x1e: {  	[tilespmem:s24], [sflag:$0x1] =	stream.indirect.gather [hbm4b:s3+s13], $0x40, s1, s13, $0xb8;
	[tilespmem:$0x18800] =	vst v63  }
0x1f: {  	s25 =	simm.s32 $0x4600  }
0x20: {  	[tilespmem:s25], [sflag:$0x1] =	stream.indirect.gather [hbm4b:s3+s13], $0x40, s11, s13, $0xb8;
	[tilespmem:$0x18800] =	vst v63  }
0x21: {  	s26 =	simm.s32 $0x8600  }
0x22: {  	[tilespmem:s26], [sflag:$0x1] =	stream.indirect.gather [hbm4b:s4+s13], $0x40, s12, s13, $0xb8;
	[tilespmem:$0x18800] =	vst v63  }
0x23: {  	s25 =	simm.s32 $0x1600  }
0x24: {  	[tilespmem:s25], [sflag:$0x1] =	stream.indirect.gather [hbm4b:s3+s13], $0x40, s13, s13, $0xb8;
	[tilespmem:$0x18800] =	vst v63  }
0x25: {  	s26 =	simm.s32 $0x240;
	s25 =	simm.s32 $0x5600  }
0x26: {  	[tilespmem:s25], [sflag:$0x1] =	stream.indirect.gather [hbm4b:s3+s13], $0x40, s26, s13, $0xb8;
	[tilespmem:$0x18800] =	vst v63  }
0x27: {  	s25 =	simm.s32 $0x440;
	s26 =	simm.s32 $0x9600  }
0x28: {  	[tilespmem:s26], [sflag:$0x1] =	stream.indirect.gather [hbm4b:s4+s13], $0x40, s25, s13, $0xb8;
	[tilespmem:$0x18800] =	vst v63  }
0x29: {  	s25 =	simm.s32 $0x80;
	s26 =	simm.s32 $0x2600  }
0x2a: {  	[tilespmem:s26], [sflag:$0x1] =	stream.indirect.gather [hbm4b:s3+s13], $0x40, s25, s13, $0xb8;
	[tilespmem:$0x18800] =	vst v63  }
0x2b: {  	s25 =	simm.s32 $0x280;
	s26 =	simm.s32 $0x6600  }
0x2c: {  	[tilespmem:s26], [sflag:$0x1] =	stream.indirect.gather [hbm4b:s3+s13], $0x40, s25, s13, $0xb8;
	[tilespmem:$0x18800] =	vst v63  }
0x2d: {  	s25 =	simm.s32 $0x480;
	s26 =	simm.s32 $0xA600  }
0x2e: {  	[tilespmem:s26], [sflag:$0x1] =	stream.indirect.gather [hbm4b:s4+s13], $0x40, s25, s13, $0xb8;
	[tilespmem:$0x18800] =	vst v63  }
0x2f: {  	s25 =	simm.s32 $0xC0;
	s26 =	simm.s32 $0x3600  }
0x30: {  	[tilespmem:s26], [sflag:$0x1] =	stream.indirect.gather [hbm4b:s3+s13], $0x40, s25, s13, $0xb8;
	[tilespmem:$0x18800] =	vst v63  }
0x31: {  	s25 =	simm.s32 $0x2C0;
	s26 =	simm.s32 $0x7600  }
0x32: {  	[tilespmem:s26], [sflag:$0x1] =	stream.indirect.gather [hbm4b:s3+s13], $0x40, s25, s13, $0xb8;
	[tilespmem:$0x18800] =	vst v63  }
0x33: {  	s25 =	simm.s32 $0x4C0;
	s26 =	simm.s32 $0xB600  }
0x34: {  	[tilespmem:s26], [sflag:$0x1] =	stream.indirect.gather [hbm4b:s4+s13], $0x40, s25, s13, $0xb8;
	[tilespmem:$0x18800] =	vst v63  }
0x35: {  	s25 =	simm.s32 $0x100;
	s26 =	simm.s32 $0xC600  }
0x36: {  	[tilespmem:s26], [sflag:$0x2] =	stream.indirect.gather [hbm4b:s3+s13], $0x40, s25, s13, $0xb8;
	[tilespmem:$0x18800] =	vst v63  }
0x37: {  	s25 =	simm.s32 $0x300;
	s26 =	simm.s32 $0x10600  }
0x38: {  	[tilespmem:s26], [sflag:$0x2] =	stream.indirect.gather [hbm4b:s3+s13], $0x40, s25, s13, $0xb8;
	[tilespmem:$0x18800] =	vst v63  }
0x39: {  	s25 =	simm.s32 $0x500;
	s26 =	simm.s32 $0x14600  }
0x3a: {  	[tilespmem:s26], [sflag:$0x2] =	stream.indirect.gather [hbm4b:s4+s13], $0x40, s25, s13, $0xb8;
	[tilespmem:$0x18800] =	vst v63  }
0x3b: {  	s25 =	simm.s32 $0x140;
	s26 =	simm.s32 $0xD600  }
0x3c: {  	[tilespmem:s26], [sflag:$0x2] =	stream.indirect.gather [hbm4b:s3+s13], $0x40, s25, s13, $0xb8;
	[tilespmem:$0x18800] =	vst v63  }
0x3d: {  	s25 =	simm.s32 $0x340;
	s26 =	simm.s32 $0x11600  }
0x3e: {  	[tilespmem:s26], [sflag:$0x2] =	stream.indirect.gather [hbm4b:s3+s13], $0x40, s25, s13, $0xb8;
	[tilespmem:$0x18800] =	vst v63  }
0x3f: {  	s25 =	simm.s32 $0x540;
	s26 =	simm.s32 $0x15600  }
0x40: {  	[tilespmem:s26], [sflag:$0x2] =	stream.indirect.gather [hbm4b:s4+s13], $0x40, s25, s13, $0xb8;
	[tilespmem:$0x18800] =	vst v63  }
0x41: {  	s25 =	simm.s32 $0x180;
	s26 =	simm.s32 $0xE600  }
0x42: {  	[tilespmem:s26], [sflag:$0x2] =	stream.indirect.gather [hbm4b:s3+s13], $0x40, s25, s13, $0xb8;
	[tilespmem:$0x18800] =	vst v63  }
0x43: {  	_ = 	snop  }
0x44: {  	[tilespmem:s31], [sflag:$0x2] =	stream.indirect.gather [hbm4b:s3+s13], $0x40, s30, s13, $0xb8;
	[tilespmem:$0x18800] =	vst v63  }
0x45: {  	_ = 	snop  }
0x46: {  	[tilespmem:s2], [sflag:$0x2] =	stream.indirect.gather [hbm4b:s4+s13], $0x40, s0, s13, $0xb8;
	[tilespmem:$0x18800] =	vst v63  }
0x47: {  	_ = 	snop  }
0x48: {  	[tilespmem:s15], [sflag:$0x2] =	stream.indirect.gather [hbm4b:s3+s13], $0x40, s14, s13, $0xb8;
	[tilespmem:$0x18800] =	vst v63  }
0x49: {  	_ = 	snop  }
0x4a: {  	[tilespmem:s17], [sflag:$0x2] =	stream.indirect.gather [hbm4b:s3+s13], $0x40, s16, s13, $0xb8;
	[tilespmem:$0x18800] =	vst v63  }
0x4b: {  	_ = 	snop  }
0x4c: {  	[tilespmem:s19], [sflag:$0x2] =	stream.indirect.gather [hbm4b:s4+s13], $0x40, s18, s13, $0xb8;
	[tilespmem:$0x18800] =	vst v63  }
0x4d: {  	_ =	swait.ge [sflag:s20], $0x1000  }
0x4e: {  	[sflag:s20] =	ssyncset.done $0x0  }
0x4f: {  	[sflag:s20] =	ssyncadd.s32 $0xFFFFF000  }
0x50: {  	_ =	swait.ge [sflag:s20], $0x1000  }
0x51: {  	[sflag:s20] =	ssyncset.done $0x0  }
0x52: {  	[sflag:s20] =	ssyncadd.s32 $0xFFFFF000  }
0x53: {  	_ =	swait.ge [sflag:s20], $0x1000  }
0x54: {  	[sflag:s20] =	ssyncset.done $0x0  }
0x55: {  	[sflag:s20] =	ssyncadd.s32 $0xFFFFF000  }
0x56: {  	_ =	swait.ge [sflag:s20], $0x1000  }
0x57: {  	[sflag:s20] =	ssyncset.done $0x0  }
0x58: {  	[sflag:s20] =	ssyncadd.s32 $0xFFFFF000  }
0x59: {  	_ =	swait.ge [sflag:s20], $0x1000  }
0x5a: {  	[sflag:s20] =	ssyncset.done $0x0  }
0x5b: {  	[sflag:s20] =	ssyncadd.s32 $0xFFFFF000  }
0x5c: {  	_ =	swait.ge [sflag:s20], $0x1000  }
0x5d: {  	[sflag:s20] =	ssyncset.done $0x0  }
0x5e: {  	[sflag:s20] =	ssyncadd.s32 $0xFFFFF000  }
0x5f: {  	_ =	swait.ge [sflag:s20], $0x1000  }
0x60: {  	[sflag:s20] =	ssyncset.done $0x0  }
0x61: {  	[sflag:s20] =	ssyncadd.s32 $0xFFFFF000  }
0x62: {  	_ =	swait.ge [sflag:s20], $0x1000  }
0x63: {  	[sflag:s20] =	ssyncset.done $0x0  }
0x64: {  	[sflag:s20] =	ssyncadd.s32 $0xFFFFF000  }
0x65: {  	_ =	swait.ge [sflag:s20], $0x1000  }
0x66: {  	[sflag:s20] =	ssyncset.done $0x0  }
0x67: {  	[sflag:s20] =	ssyncadd.s32 $0xFFFFF000  }
0x68: {  	_ =	swait.ge [sflag:s20], $0x1000  }
0x69: {  	[sflag:s20] =	ssyncset.done $0x0  }
0x6a: {  	[sflag:s20] =	ssyncadd.s32 $0xFFFFF000  }
0x6b: {  	_ =	swait.ge [sflag:s20], $0x1000  }
0x6c: {  	[sflag:s20] =	ssyncset.done $0x0  }
0x6d: {  	[sflag:s20] =	ssyncadd.s32 $0xFFFFF000  }
0x6e: {  	_ =	swait.ge [sflag:s20], $0x1000  }
0x6f: {  	[sflag:s20] =	ssyncset.done $0x0  }
0x70: {  	s26 =	simm.s32 $0x620;
	[sflag:s20] =	ssyncadd.s32 $0xFFFFF000  }
0x71: {  	s25 =	simm.s32 $0x4620;
	v0 =	vld [tilespmem:s26+$0x10]  }
0x72: {  	v1 =	vld [tilespmem:s25+$0xFFFFFFE0]  }
0x73: {  	s28 =	simm.s32 $0x8620;
	v2 =	vld [tilespmem:s26+$0x0]  }
0x74: {  	v3 =	vld [tilespmem:s28+$0xFFFFFFE0]  }
0x75: {  	v4 =	vld [tilespmem:s26+$0xFFFFFFE0]  }
0x76: {  	v5 =	vld [tilespmem:s26+$0xFFFFFFF0]  }
0x77: {  	s29 =	simm.s32 $0x1;
	s24 =	simm.s32 $0x0;
	v6 =	vld [tilespmem:s28+$0xFFFFFFF0]  }
.LBB2_2:
0x78: {  	p0 =	sne.s32 s29, $0xFF;
	v7 =	vld [tilespmem:s28+$0x0]  }
0x79: {  	v8 =	vld [tilespmem:s25+$0xFFFFFFF0]  }
0x7a: {  	v9 =	vld [tilespmem:s28+$0x10]  }
0x7b: {  	v10 =	vld [tilespmem:s25+$0x0]  }
0x7c: {  	v3 =	vadd.f32 v3, v4;
	v4 =	vadd.f32 v6, v5  }
0x7d: {  	v2 =	vadd.f32 v7, v2;
	v5 =	vld [tilespmem:s25+$0x10]  }
0x7e: {  	v1 =	vsub.f32 v3, v1;
	v3 =	vsub.f32 v4, v8  }
0x7f: {  	v0 =	vadd.f32 v9, v0  }
0x80: {  	v1 =	vand.u32 $0x7FFFFFFF, v1;
	v3 =	vand.u32 $0x7FFFFFFF, v3;
	v2 =	vsub.f32 v2, v10  }
0x81: {  	v1 =	vadd.f32 v3, v1  }
0x82: {  	v2 =	vand.u32 $0x7FFFFFFF, v2;
	v0 =	vsub.f32 v0, v5  }
0x83: {  	v1 =	vadd.f32 v2, v1  }
0x84: {  	v0 =	vand.u32 $0x7FFFFFFF, v0  }
0x85: {  	v0 =	vadd.f32 v0, v1;
	_ =	sdelay $0x1  }
0x86: {  	(xrf2) =	vadd.scan.msk.f32 $0xffff, v0;
	_ =	sdelay $0x7  }
0x87: {  	v0 =	vmov s24;
	s24 =	smov.u32 s29;
	_ =	sdelay $0x1  }
0x88: {  	v1, _, _ =	vpop (xrf2)  }
0x89: {  	v1 =	vsub.f32 $0.0e+00, v1;
	_ =	sdelay $0x1  }
0x8a: {  	s26 =	sadd.s32 $0x40, s26;
	[tilespmem:v0+s21+$0x0] =	vst.idx.msk vm0, v1  }
0x8b: {  	s25 =	sadd.s32 $0x40, s25;
	v0 =	vld [tilespmem:s26+$0x10]  }
0x8c: {  	v1 =	vld [tilespmem:s25+$0xFFFFFFE0]  }
.Ltmp0:
0x8d: {  	s28 =	sadd.s32 $0x40, s28;
	v2 =	vld [tilespmem:s26+$0x0];
	(pc) =	sbr.rel @p0 .LBB2_2-.Ltmp0, $4  }
0x8e: {  	v3 =	vld [tilespmem:s28+$0xFFFFFFE0]  }
0x8f: {  	v4 =	vld [tilespmem:s26+$0xFFFFFFE0]  }
0x90: {  	v5 =	vld [tilespmem:s26+$0xFFFFFFF0]  }
0x91: {  	s29 =	sadd.s32 $0x1, s29;
	v6 =	vld [tilespmem:s28+$0xFFFFFFF0]  }
0x92: {  	v7 =	vld [tilespmem:s28+$0x0]  }
0x93: {  	v8 =	vld [tilespmem:s25+$0xFFFFFFF0]  }
0x94: {  	v9 =	vld [tilespmem:s28+$0x10]  }
0x95: {  	v10 =	vld [tilespmem:s25+$0x0];
	v3 =	vadd.f32 v3, v4  }
0x96: {  	v4 =	vadd.f32 v6, v5  }
0x97: {  	v5 =	vld [tilespmem:s25+$0x10];
	v1 =	vsub.f32 v3, v1  }
0x98: {  	v2 =	vadd.f32 v7, v2;
	v3 =	vsub.f32 v4, v8  }
0x99: {  	v0 =	vadd.f32 v9, v0  }
0x9a: {  	v1 =	vand.u32 $0x7FFFFFFF, v1;
	v2 =	vsub.f32 v2, v10;
	v3 =	vand.u32 $0x7FFFFFFF, v3  }
0x9b: {  	v1 =	vadd.f32 v3, v1  }
0x9c: {  	v2 =	vand.u32 $0x7FFFFFFF, v2;
	v0 =	vsub.f32 v0, v5  }
0x9d: {  	v1 =	vadd.f32 v2, v1  }
0x9e: {  	v0 =	vand.u32 $0x7FFFFFFF, v0  }
0x9f: {  	v0 =	vadd.f32 v0, v1;
	_ =	sdelay $0x1  }
0xa0: {  	(xrf2) =	vadd.scan.msk.f32 $0xffff, v0;
	_ =	sdelay $0x7  }
0xa1: {  	v0 =	vmov s24;
	_ =	sdelay $0x1  }
0xa2: {  	v1, _, _ =	vpop (xrf2)  }
0xa3: {  	v1 =	vsub.f32 $0.0e+00, v1;
	_ =	sdelay $0x1  }
0xa4: {  	[tilespmem:v0+s21+$0x0] =	vst.idx.msk vm0, v1  }
0xa5: {  	_ =	swait.ge [sflag:s22], $0x1000  }
0xa6: {  	[sflag:s22] =	ssyncset.done $0x0  }
0xa7: {  	[sflag:s22] =	ssyncadd.s32 $0xFFFFF000  }
0xa8: {  	_ =	swait.ge [sflag:s22], $0x1000  }
0xa9: {  	[sflag:s22] =	ssyncset.done $0x0  }
0xaa: {  	[sflag:s22] =	ssyncadd.s32 $0xFFFFF000  }
0xab: {  	_ =	swait.ge [sflag:s22], $0x1000  }
0xac: {  	[sflag:s22] =	ssyncset.done $0x0  }
0xad: {  	[sflag:s22] =	ssyncadd.s32 $0xFFFFF000  }
0xae: {  	_ =	swait.ge [sflag:s22], $0x1000  }
0xaf: {  	[sflag:s22] =	ssyncset.done $0x0  }
0xb0: {  	[sflag:s22] =	ssyncadd.s32 $0xFFFFF000  }
0xb1: {  	_ =	swait.ge [sflag:s22], $0x1000  }
0xb2: {  	[sflag:s22] =	ssyncset.done $0x0  }
0xb3: {  	[sflag:s22] =	ssyncadd.s32 $0xFFFFF000  }
0xb4: {  	_ =	swait.ge [sflag:s22], $0x1000  }
0xb5: {  	[sflag:s22] =	ssyncset.done $0x0  }
0xb6: {  	[sflag:s22] =	ssyncadd.s32 $0xFFFFF000  }
0xb7: {  	_ =	swait.ge [sflag:s22], $0x1000  }
0xb8: {  	[sflag:s22] =	ssyncset.done $0x0  }
0xb9: {  	[sflag:s22] =	ssyncadd.s32 $0xFFFFF000  }
0xba: {  	_ =	swait.ge [sflag:s22], $0x1000  }
0xbb: {  	[sflag:s22] =	ssyncset.done $0x0  }
0xbc: {  	[sflag:s22] =	ssyncadd.s32 $0xFFFFF000  }
0xbd: {  	_ =	swait.ge [sflag:s22], $0x1000  }
0xbe: {  	[sflag:s22] =	ssyncset.done $0x0  }
0xbf: {  	[sflag:s22] =	ssyncadd.s32 $0xFFFFF000  }
0xc0: {  	_ =	swait.ge [sflag:s22], $0x1000  }
0xc1: {  	[sflag:s22] =	ssyncset.done $0x0  }
0xc2: {  	[sflag:s22] =	ssyncadd.s32 $0xFFFFF000  }
0xc3: {  	_ =	swait.ge [sflag:s22], $0x1000  }
0xc4: {  	[sflag:s22] =	ssyncset.done $0x0  }
0xc5: {  	[sflag:s22] =	ssyncadd.s32 $0xFFFFF000  }
0xc6: {  	_ =	swait.ge [sflag:s22], $0x1000  }
0xc7: {  	[sflag:s22] =	ssyncset.done $0x0  }
0xc8: {  	s26 =	simm.s32 $0xC620;
	[sflag:s22] =	ssyncadd.s32 $0xFFFFF000  }
0xc9: {  	s25 =	simm.s32 $0x10620;
	v0 =	vld [tilespmem:s26+$0x10]  }
0xca: {  	v1 =	vld [tilespmem:s25+$0xFFFFFFE0]  }
0xcb: {  	s28 =	simm.s32 $0x14620;
	v2 =	vld [tilespmem:s26+$0x0]  }
0xcc: {  	v3 =	vld [tilespmem:s28+$0xFFFFFFE0]  }
0xcd: {  	v4 =	vld [tilespmem:s26+$0xFFFFFFE0]  }
0xce: {  	v5 =	vld [tilespmem:s26+$0xFFFFFFF0]  }
0xcf: {  	s29 =	simm.s32 $0x101;
	s24 =	simm.s32 $0x100;
	v6 =	vld [tilespmem:s28+$0xFFFFFFF0]  }
.LBB2_4:
0xd0: {  	p0 =	sne.s32 s29, $0x1FF;
	v7 =	vld [tilespmem:s28+$0x0]  }
0xd1: {  	v8 =	vld [tilespmem:s25+$0xFFFFFFF0]  }
0xd2: {  	v9 =	vld [tilespmem:s28+$0x10]  }
0xd3: {  	v10 =	vld [tilespmem:s25+$0x0]  }
0xd4: {  	v3 =	vadd.f32 v3, v4;
	v4 =	vadd.f32 v6, v5  }
0xd5: {  	v2 =	vadd.f32 v7, v2;
	v5 =	vld [tilespmem:s25+$0x10]  }
0xd6: {  	v1 =	vsub.f32 v3, v1;
	v3 =	vsub.f32 v4, v8  }
0xd7: {  	v0 =	vadd.f32 v9, v0  }
0xd8: {  	v1 =	vand.u32 $0x7FFFFFFF, v1;
	v3 =	vand.u32 $0x7FFFFFFF, v3;
	v2 =	vsub.f32 v2, v10  }
0xd9: {  	v1 =	vadd.f32 v3, v1  }
0xda: {  	v2 =	vand.u32 $0x7FFFFFFF, v2;
	v0 =	vsub.f32 v0, v5  }
0xdb: {  	v1 =	vadd.f32 v2, v1  }
0xdc: {  	v0 =	vand.u32 $0x7FFFFFFF, v0  }
0xdd: {  	v0 =	vadd.f32 v0, v1;
	_ =	sdelay $0x1  }
0xde: {  	(xrf2) =	vadd.scan.msk.f32 $0xffff, v0;
	_ =	sdelay $0x7  }
0xdf: {  	v0 =	vmov s24;
	s24 =	smov.u32 s29;
	_ =	sdelay $0x1  }
0xe0: {  	v1, _, _ =	vpop (xrf2)  }
0xe1: {  	v1 =	vsub.f32 $0.0e+00, v1;
	_ =	sdelay $0x1  }
0xe2: {  	s26 =	sadd.s32 $0x40, s26;
	[tilespmem:v0+s21+$0x0] =	vst.idx.msk vm0, v1  }
0xe3: {  	s25 =	sadd.s32 $0x40, s25;
	v0 =	vld [tilespmem:s26+$0x10]  }
0xe4: {  	v1 =	vld [tilespmem:s25+$0xFFFFFFE0]  }
.Ltmp1:
0xe5: {  	s28 =	sadd.s32 $0x40, s28;
	v2 =	vld [tilespmem:s26+$0x0];
	(pc) =	sbr.rel @p0 .LBB2_4-.Ltmp1, $4  }
0xe6: {  	v3 =	vld [tilespmem:s28+$0xFFFFFFE0]  }
0xe7: {  	v4 =	vld [tilespmem:s26+$0xFFFFFFE0]  }
0xe8: {  	v5 =	vld [tilespmem:s26+$0xFFFFFFF0]  }
0xe9: {  	s29 =	sadd.s32 $0x1, s29;
	v6 =	vld [tilespmem:s28+$0xFFFFFFF0]  }
0xea: {  	v7 =	vld [tilespmem:s28+$0x0]  }
0xeb: {  	v8 =	vld [tilespmem:s25+$0xFFFFFFF0]  }
0xec: {  	v9 =	vld [tilespmem:s28+$0x10]  }
0xed: {  	v10 =	vld [tilespmem:s25+$0x0];
	v3 =	vadd.f32 v3, v4  }
0xee: {  	v59 =	vadd.f32 v6, v5  }
0xef: {  	v60 =	vld [tilespmem:s25+$0x10];
	v1 =	vsub.f32 v3, v1  }
0xf0: {  	v2 =	vadd.f32 v7, v2;
	v61 =	vsub.f32 v59, v8  }
0xf1: {  	v0 =	vadd.f32 v9, v0  }
0xf2: {  	v1 =	vand.u32 $0x7FFFFFFF, v1;
	v2 =	vsub.f32 v2, v10;
	v3 =	vand.u32 $0x7FFFFFFF, v61  }
0xf3: {  	v1 =	vadd.f32 v3, v1  }
0xf4: {  	v0 =	vsub.f32 v0, v60;
	v2 =	vand.u32 $0x7FFFFFFF, v2  }
0xf5: {  	v1 =	vadd.f32 v2, v1  }
0xf6: {  	v0 =	vand.u32 $0x7FFFFFFF, v0  }
0xf7: {  	v0 =	vadd.f32 v0, v1;
	_ =	sdelay $0x1  }
0xf8: {  	(xrf2) =	vadd.scan.msk.f32 $0xffff, v0;
	_ =	sdelay $0x7  }
0xf9: {  	v62 =	vmov s24;
	_ =	sdelay $0x1  }
0xfa: {  	v63, _, _ =	vpop (xrf2)  }
0xfb: {  	s23 =	sadd.s32 $0x1, s23;
	v1 =	vsub.f32 $0.0e+00, v63  }
0xfc: {  	p0 =	sne.s32 s23, s9  }
.Ltmp2:
0xfd: {  	[tilespmem:v62+s21+$0x0] =	vst.idx.msk vm0, v1;
	(pc) =	sbr.rel @p0 .LBB2_1-.Ltmp2, $4  }
0xfe: {  	[hbm4b:s8+s1] =	stream.linear.scatter [tilespmem:s21], [sflag:$0x3], $0x200, $0x38;
	[tilespmem:$0x18800] =	vst v63  }
0xff: {  	_ =	swait.ge [sflag:s10], $0x200  }
0x100: {  	[sflag:s10] =	ssyncset.done $0x0  }
0x101: {  	[sflag:s10] =	ssyncadd.s32 $0xFFFFFE00  }
0x102: {  	_ =	sfence.sel $0x180000  }
0x103: {  	[bflag:$0x0] =	sbarrier.arrive $0xFFFF  }
0x104: {  	_ =	strace $0x90000047  }
0x105: {  	s0 =	stileid.u32;
	[bflag:$0x2] =	sbarrier.arrive $0xFFFF  }
0x106: {  	p0 =	sne.s32 s0, $0x0;
	s0 =	rddreg [dreg:$0x5]  }
0x107: {  	s0 =	sadd.s32 @!p0 $0x100000, s0  }
0x108: {  	[sflag:s0] =	ssyncadd.tile.s32 @!p0 $0x1;
	_ =	shalt  }
.Lfunc_end2:
_tile_overlayer_lowered:
.L_overlay_start_2:
0x109: {  	(tag) =	ssettag $0x2  }
0x10a: {  	s0 =	rddreg [dreg:$0x0];
	s2 =	stileid.u32  }
0x10b: {  	s1 =	rddreg [dreg:$0x1];
	p0 =	sne.s32 s2, $0x0  }
0x10c: {  	s3 =	rddreg [dreg:$0x2];
	[bflag:$0x3] =	sbarrier.arrive $0xFFFF;
	s2 =	simm.s32 @!p0 $0x1C03  }
0x10d: {  	[timem:s3], [sflag:s2] =	dma.local @!p0 [hbm:s0], s1  }
0x10e: {  	s0 =	simm.s32 @!p0 $0x3  }
0x10f: {  	_ =	swait.ge @!p0 [sflag:s0], s1  }
0x110: {  	s1 =	ssub.s32 @!p0 $0x0, s1;
	[sflag:s0] =	ssyncset.done @!p0 $0x0  }
0x111: {  	[sflag:s0] =	ssyncadd.s32 @!p0 s1  }
0x112: {  	[bflag:$0x3] =	sbarrier.arrive $0xFFFF  }
0x113: {  	_ =	shalt  }

</sc_bundles>
